<compile_context>
chip_gen: v7x
topology: tpu7x:2x2x1
jax: 0.10.2.dev20260603
libtpu: 0.0.44.dev20260713+nightly
codegen_flags: <defaults>
</compile_context>

<pallas_src>
import functools

import jax
import jax.numpy as jnp
from jax import lax
from jax.experimental import pallas as pl
from jax.experimental.pallas import tpu as pltpu
from jax.experimental.pallas import tpu_sc as plsc

_EMBED = 128
_NUM_WORKERS = 32
_CHUNK = 128
_NBUF = 6
_LAG = 4


def _sc_gather(ss, ps, os_idx, ent, rel):
    length = ss.shape[0]
    b_per_w = length // _NUM_WORKERS
    rows_t = jax.ShapeDtypeStruct((length, _EMBED), jnp.float32)
    mesh = plsc.VectorSubcoreMesh(core_axis_name="c", subcore_axis_name="s")

    @functools.partial(
        pl.kernel,
        out_type=[rows_t, rows_t, rows_t],
        mesh=mesh,
        scratch_types=(
            [pltpu.VMEM((b_per_w,), jnp.int32) for _ in range(3)]
            + [pltpu.VMEM((_CHUNK, _EMBED), jnp.float32) for _ in range(_NBUF)]
            + [pltpu.SemaphoreType.DMA for _ in range(_NBUF + 3)]
        ),
    )
    def gather_kernel(ss_hbm, ps_hbm, os_hbm, ent_hbm, rel_hbm,
                      s_out, p_out, o_out, sidx, pidx, oidx, *rest):
        bufs = rest[:_NBUF]
        gsem = rest[_NBUF:2 * _NBUF]
        isem = rest[2 * _NBUF:2 * _NBUF + 3]
        wid = lax.axis_index("s") * 2 + lax.axis_index("c")
        base = wid * b_per_w

        idx_handles = {}
        for k, (src, dst) in enumerate(((ss_hbm, sidx), (ps_hbm, pidx),
                                        (os_hbm, oidx))):
            idx_handles[id(dst)] = pltpu.async_copy(
                src.at[pl.ds(base, b_per_w)], dst, isem[k])

        items = []
        for idxr, tab, out in ((sidx, ent_hbm, s_out),
                               (pidx, rel_hbm, p_out),
                               (oidx, ent_hbm, o_out)):
            for c in range(0, b_per_w, _CHUNK):
                items.append((idxr, c, tab, out))
        n = len(items)

        g_h = [None] * _NBUF
        w_h = [None] * _NBUF
        for i in range(n + _LAG):
            if i < n:
                idxr, off, tab, _ = items[i]
                j = i % _NBUF
                if w_h[j] is not None:
                    w_h[j].wait()
                    w_h[j] = None
                h = idx_handles.pop(id(idxr), None)
                if h is not None:
                    h.wait()
                g_h[j] = pltpu.async_copy(
                    tab.at[idxr.at[pl.ds(off, _CHUNK)]], bufs[j], gsem[j])
            k = i - _LAG
            if k >= 0:
                jk = k % _NBUF
                g_h[jk].wait()
                _, off_k, _, out_k = items[k]
                w_h[jk] = pltpu.async_copy(
                    bufs[jk], out_k.at[pl.ds(base + off_k, _CHUNK)], gsem[jk])
        for j in range(_NBUF):
            if w_h[j] is not None:
                w_h[j].wait()

    return gather_kernel(ss, ps, os_idx, ent, rel)


def _score_block(s_ref, p_ref, o_ref, out_ref):
    def _norm(x):
        sq = jnp.sum(x * x, axis=-1, keepdims=True)
        return x * jax.lax.rsqrt(jnp.maximum(sq, 1e-24))

    d = (_norm(o_ref[...]) - _norm(s_ref[...])) - _norm(p_ref[...]) + 1e-6
    out_ref[...] = jnp.sqrt(jnp.sum(d * d, axis=-1))


def _tc_score(s_rows, p_rows, o_rows, batch, block_offset, acc=None):
    length = s_rows.shape[0]
    blk = 2048
    grid = length // blk
    row_spec = pl.BlockSpec((blk, _EMBED), lambda i: (i, 0))
    out_spec = pl.BlockSpec((blk,), lambda i: (i + block_offset,))
    kwargs = {}
    operands = [s_rows, p_rows, o_rows]
    if acc is not None:
        in_specs = [row_spec, row_spec, row_spec,
                    pl.BlockSpec(memory_space=pl.ANY)]
        operands.append(acc)
        kwargs["input_output_aliases"] = {3: 0}
    else:
        in_specs = [row_spec, row_spec, row_spec]

    def body(*refs):
        _score_block(refs[0], refs[1], refs[2], refs[-1])

    return pl.pallas_call(
        body,
        grid=(grid,),
        in_specs=in_specs,
        out_specs=out_spec,
        out_shape=jax.ShapeDtypeStruct((batch,), jnp.float32),
        **kwargs,
    )(*operands)


def kernel(ss, ps, os, ent_embedding, rel_embedding):
    ss = ss.astype(jnp.int32)
    ps = ps.astype(jnp.int32)
    os = os.astype(jnp.int32)
    batch = ss.shape[0]
    n_slices = 2
    sl = batch // n_slices
    out = None
    for k in range(n_slices):
        lo, hi = k * sl, (k + 1) * sl
        s_rows, p_rows, o_rows = _sc_gather(
            ss[lo:hi], ps[lo:hi], os[lo:hi], ent_embedding, rel_embedding)
        out = _tc_score(s_rows, p_rows, o_rows, batch,
                        k * (sl // 2048), out)
    return out

# --- scband reference (transcript-rebuilt; emitter-appended) ---
"""Pipeline reference for scband-trans-e-575525617955 (READ-ONLY COPY).

The authoritative reference and input builder live on the scoring server;
editing this copy changes nothing except your own understanding.
"""

import jax, jax.numpy as jnp
import numpy as np

N_ENTS = 1000000
N_RELS = 1000
EMBED = 128
BATCH = 16384


def _normalize(x, eps=1e-12):
    # torch F.normalize: x / max(||x||_2, eps) along last dim
    norm = jnp.sqrt(jnp.sum(x * x, axis=-1, keepdims=True))
    return x / jnp.maximum(norm, eps)


def setup_inputs(seed: int = 0) -> dict:
    key = jax.random.key(seed)
    k1, k2, k3, k4, k5 = jax.random.split(key, 5)
    ss = jax.random.randint(k1, (BATCH,), 0, N_ENTS, dtype=jnp.int64 if jax.config.jax_enable_x64 else jnp.int32)
    ps = jax.random.randint(k2, (BATCH,), 0, N_RELS, dtype=jnp.int64 if jax.config.jax_enable_x64 else jnp.int32)
    os_idx = jax.random.randint(k3, (BATCH,), 0, N_ENTS, dtype=jnp.int64 if jax.config.jax_enable_x64 else jnp.int32)
    ent_embedding = jax.random.normal(k4, (N_ENTS, EMBED), dtype=jnp.float32) * 0.02
    rel_embedding = jax.random.normal(k5, (N_RELS, EMBED), dtype=jnp.float32) * 0.02
    return {"ss": ss, "ps": ps, "os": os_idx, "ent_embedding": ent_embedding, "rel_embedding": rel_embedding}


def reference(ss, ps, os, ent_embedding, rel_embedding):
    s = jnp.take(ent_embedding, ss, axis=0).reshape(-1, EMBED)
    p = jnp.take(rel_embedding, ps, axis=0).reshape(-1, EMBED)
    o = jnp.take(ent_embedding, os, axis=0).reshape(-1, EMBED)
    s = _normalize(s)
    p = _normalize(p)
    o = _normalize(o)
    # torch nn.PairwiseDistance(p=2): ||x1 - x2 + eps||_2 with eps=1e-6
    diff = (o - s) - p + 1e-6
    score = jnp.sqrt(jnp.sum(diff * diff, axis=-1))
    return score

if __name__ == "__main__":
    import jax
    _d = setup_inputs()
    print(jax.jit(kernel)(*tuple(_d.values())))

</pallas_src>

<mosaic_0001>
#map = affine_map<(d0, d1) -> (0)>
#map1 = affine_map<(d0, d1) -> (0, 0)>
module attributes {stable_mosaic.version = 14 : i64} {
  func.func @gather_kernel(%arg0: i32, %arg1: i32, %arg2: memref<8192xi32, #tpu.memory_space<hbm>>, %arg3: memref<8192xi32, #tpu.memory_space<hbm>>, %arg4: memref<8192xi32, #tpu.memory_space<hbm>>, %arg5: memref<1000000x128xf32, #tpu.memory_space<hbm>>, %arg6: memref<1000x128xf32, #tpu.memory_space<hbm>>, %arg7: memref<8192x128xf32, #tpu.memory_space<hbm>>, %arg8: memref<8192x128xf32, #tpu.memory_space<hbm>>, %arg9: memref<8192x128xf32, #tpu.memory_space<hbm>>, %arg10: memref<256xi32, #tpu.memory_space<vmem>>, %arg11: memref<256xi32, #tpu.memory_space<vmem>>, %arg12: memref<256xi32, #tpu.memory_space<vmem>>, %arg13: memref<128x128xf32, #tpu.memory_space<vmem>>, %arg14: memref<128x128xf32, #tpu.memory_space<vmem>>, %arg15: memref<128x128xf32, #tpu.memory_space<vmem>>, %arg16: memref<128x128xf32, #tpu.memory_space<vmem>>, %arg17: memref<128x128xf32, #tpu.memory_space<vmem>>, %arg18: memref<128x128xf32, #tpu.memory_space<vmem>>, %arg19: memref<!tpu.dma_semaphore, #tpu.memory_space<semaphore_mem>>, %arg20: memref<!tpu.dma_semaphore, #tpu.memory_space<semaphore_mem>>, %arg21: memref<!tpu.dma_semaphore, #tpu.memory_space<semaphore_mem>>, %arg22: memref<!tpu.dma_semaphore, #tpu.memory_space<semaphore_mem>>, %arg23: memref<!tpu.dma_semaphore, #tpu.memory_space<semaphore_mem>>, %arg24: memref<!tpu.dma_semaphore, #tpu.memory_space<semaphore_mem>>, %arg25: memref<!tpu.dma_semaphore, #tpu.memory_space<semaphore_mem>>, %arg26: memref<!tpu.dma_semaphore, #tpu.memory_space<semaphore_mem>>, %arg27: memref<!tpu.dma_semaphore, #tpu.memory_space<semaphore_mem>>) attributes {dimension_semantics = [#tpu.dimension_semantics<core_parallel>, #tpu.dimension_semantics<subcore_parallel>], iteration_bounds = array<i64: 2, 16>, scalar_prefetch = 0 : i64, scratch_operands = 18 : i64, tpu.core_type = #tpu.core_type<sc_vector_subcore>, window_params = [{transform_indices = #map}, {transform_indices = #map}, {transform_indices = #map}, {transform_indices = #map1}, {transform_indices = #map1}, {transform_indices = #map1}, {transform_indices = #map1}, {transform_indices = #map1}]} {
    %mul3A = arith.constant 2 : i32
    %mul3A_0 = arith.muli %arg1, %mul3A : i32
    %add3A = arith.addi %mul3A_0, %arg0 : i32
    %mul3A_1 = arith.constant 256 : i32
    %mul3A_2 = arith.muli %add3A, %mul3A_1 : i32
    %dma_start3A = tpu.memref_slice %arg2[%mul3A_2] : memref<8192xi32, #tpu.memory_space<hbm>> -> memref<256xi32, #tpu.memory_space<hbm>>
    %dma_start3A_3 = tpu.memref_slice %arg2[%mul3A_2] : memref<8192xi32, #tpu.memory_space<hbm>> -> memref<256xi32, #tpu.memory_space<hbm>>
    tpu.enqueue_dma source(%dma_start3A_3 : memref<256xi32, #tpu.memory_space<hbm>>) target(%arg10 : memref<256xi32, #tpu.memory_space<vmem>>) target_semaphore(%arg25 : memref<!tpu.dma_semaphore, #tpu.memory_space<semaphore_mem>>)
    %dma_start3A_4 = tpu.memref_slice %arg3[%mul3A_2] : memref<8192xi32, #tpu.memory_space<hbm>> -> memref<256xi32, #tpu.memory_space<hbm>>
    %dma_start3A_5 = tpu.memref_slice %arg3[%mul3A_2] : memref<8192xi32, #tpu.memory_space<hbm>> -> memref<256xi32, #tpu.memory_space<hbm>>
    tpu.enqueue_dma source(%dma_start3A_5 : memref<256xi32, #tpu.memory_space<hbm>>) target(%arg11 : memref<256xi32, #tpu.memory_space<vmem>>) target_semaphore(%arg26 : memref<!tpu.dma_semaphore, #tpu.memory_space<semaphore_mem>>)
    %dma_start3A_6 = tpu.memref_slice %arg4[%mul3A_2] : memref<8192xi32, #tpu.memory_space<hbm>> -> memref<256xi32, #tpu.memory_space<hbm>>
    %dma_start3A_7 = tpu.memref_slice %arg4[%mul3A_2] : memref<8192xi32, #tpu.memory_space<hbm>> -> memref<256xi32, #tpu.memory_space<hbm>>
    tpu.enqueue_dma source(%dma_start3A_7 : memref<256xi32, #tpu.memory_space<hbm>>) target(%arg12 : memref<256xi32, #tpu.memory_space<vmem>>) target_semaphore(%arg27 : memref<!tpu.dma_semaphore, #tpu.memory_space<semaphore_mem>>)
    %dma_wait3A = tpu.memref_slice %arg2[%mul3A_2] : memref<8192xi32, #tpu.memory_space<hbm>> -> memref<256xi32, #tpu.memory_space<hbm>>
    %dma_wait3A_8 = tpu.memref_slice %arg2[%mul3A_2] : memref<8192xi32, #tpu.memory_space<hbm>> -> memref<256xi32, #tpu.memory_space<hbm>>
    tpu.wait_dma2 semaphore(%arg25 : memref<!tpu.dma_semaphore, #tpu.memory_space<semaphore_mem>>) src(%dma_wait3A_8 : memref<256xi32, #tpu.memory_space<hbm>>) dst(%arg10 : memref<256xi32, #tpu.memory_space<vmem>>)
    %dma_start3A_9 = arith.constant 0 : i32
    %dma_start3A_10 = tpu.memref_slice %arg10[%dma_start3A_9] : memref<256xi32, #tpu.memory_space<vmem>> -> memref<128xi32, #tpu.memory_space<vmem>>
    %dma_start3A_11 = arith.constant 0 : i32
    %dma_start3A_12 = arith.constant 0 : i32
    %dma_start3A_13 = tpu.memref_slice %arg5[%dma_start3A_11, %dma_start3A_12] : memref<1000000x128xf32, #tpu.memory_space<hbm>> -> memref<1000000x128xf32, #tpu.memory_space<hbm>>
    tpu.enqueue_indirect_dma source(%dma_start3A_13 : memref<1000000x128xf32, #tpu.memory_space<hbm>>) target(%arg13 : memref<128x128xf32, #tpu.memory_space<vmem>>) offsets(%dma_start3A_10 : memref<128xi32, #tpu.memory_space<vmem>>) semaphore(%arg19 : memref<!tpu.dma_semaphore, #tpu.memory_space<semaphore_mem>>)
    %dma_start3A_14 = arith.constant 128 : i32
    %dma_start3A_15 = tpu.memref_slice %arg10[%dma_start3A_14] : memref<256xi32, #tpu.memory_space<vmem>> -> memref<128xi32, #tpu.memory_space<vmem>>
    %dma_start3A_16 = arith.constant 0 : i32
    %dma_start3A_17 = arith.constant 0 : i32
    %dma_start3A_18 = tpu.memref_slice %arg5[%dma_start3A_16, %dma_start3A_17] : memref<1000000x128xf32, #tpu.memory_space<hbm>> -> memref<1000000x128xf32, #tpu.memory_space<hbm>>
    tpu.enqueue_indirect_dma source(%dma_start3A_18 : memref<1000000x128xf32, #tpu.memory_space<hbm>>) target(%arg14 : memref<128x128xf32, #tpu.memory_space<vmem>>) offsets(%dma_start3A_15 : memref<128xi32, #tpu.memory_space<vmem>>) semaphore(%arg20 : memref<!tpu.dma_semaphore, #tpu.memory_space<semaphore_mem>>)
    %dma_wait3A_19 = tpu.memref_slice %arg3[%mul3A_2] : memref<8192xi32, #tpu.memory_space<hbm>> -> memref<256xi32, #tpu.memory_space<hbm>>
    %dma_wait3A_20 = tpu.memref_slice %arg3[%mul3A_2] : memref<8192xi32, #tpu.memory_space<hbm>> -> memref<256xi32, #tpu.memory_space<hbm>>
    tpu.wait_dma2 semaphore(%arg26 : memref<!tpu.dma_semaphore, #tpu.memory_space<semaphore_mem>>) src(%dma_wait3A_20 : memref<256xi32, #tpu.memory_space<hbm>>) dst(%arg11 : memref<256xi32, #tpu.memory_space<vmem>>)
    %dma_start3A_21 = arith.constant 0 : i32
    %dma_start3A_22 = tpu.memref_slice %arg11[%dma_start3A_21] : memref<256xi32, #tpu.memory_space<vmem>> -> memref<128xi32, #tpu.memory_space<vmem>>
    %dma_start3A_23 = arith.constant 0 : i32
    %dma_start3A_24 = arith.constant 0 : i32
    %dma_start3A_25 = tpu.memref_slice %arg6[%dma_start3A_23, %dma_start3A_24] : memref<1000x128xf32, #tpu.memory_space<hbm>> -> memref<1000x128xf32, #tpu.memory_space<hbm>>
    tpu.enqueue_indirect_dma source(%dma_start3A_25 : memref<1000x128xf32, #tpu.memory_space<hbm>>) target(%arg15 : memref<128x128xf32, #tpu.memory_space<vmem>>) offsets(%dma_start3A_22 : memref<128xi32, #tpu.memory_space<vmem>>) semaphore(%arg21 : memref<!tpu.dma_semaphore, #tpu.memory_space<semaphore_mem>>)
    %dma_start3A_26 = arith.constant 128 : i32
    %dma_start3A_27 = tpu.memref_slice %arg11[%dma_start3A_26] : memref<256xi32, #tpu.memory_space<vmem>> -> memref<128xi32, #tpu.memory_space<vmem>>
    %dma_start3A_28 = arith.constant 0 : i32
    %dma_start3A_29 = arith.constant 0 : i32
    %dma_start3A_30 = tpu.memref_slice %arg6[%dma_start3A_28, %dma_start3A_29] : memref<1000x128xf32, #tpu.memory_space<hbm>> -> memref<1000x128xf32, #tpu.memory_space<hbm>>
    tpu.enqueue_indirect_dma source(%dma_start3A_30 : memref<1000x128xf32, #tpu.memory_space<hbm>>) target(%arg16 : memref<128x128xf32, #tpu.memory_space<vmem>>) offsets(%dma_start3A_27 : memref<128xi32, #tpu.memory_space<vmem>>) semaphore(%arg22 : memref<!tpu.dma_semaphore, #tpu.memory_space<semaphore_mem>>)
    %dma_wait3A_31 = tpu.memref_slice %arg4[%mul3A_2] : memref<8192xi32, #tpu.memory_space<hbm>> -> memref<256xi32, #tpu.memory_space<hbm>>
    %dma_wait3A_32 = tpu.memref_slice %arg4[%mul3A_2] : memref<8192xi32, #tpu.memory_space<hbm>> -> memref<256xi32, #tpu.memory_space<hbm>>
    tpu.wait_dma2 semaphore(%arg27 : memref<!tpu.dma_semaphore, #tpu.memory_space<semaphore_mem>>) src(%dma_wait3A_32 : memref<256xi32, #tpu.memory_space<hbm>>) dst(%arg12 : memref<256xi32, #tpu.memory_space<vmem>>)
    %dma_start3A_33 = arith.constant 0 : i32
    %dma_start3A_34 = tpu.memref_slice %arg12[%dma_start3A_33] : memref<256xi32, #tpu.memory_space<vmem>> -> memref<128xi32, #tpu.memory_space<vmem>>
    %dma_start3A_35 = arith.constant 0 : i32
    %dma_start3A_36 = arith.constant 0 : i32
    %dma_start3A_37 = tpu.memref_slice %arg5[%dma_start3A_35, %dma_start3A_36] : memref<1000000x128xf32, #tpu.memory_space<hbm>> -> memref<1000000x128xf32, #tpu.memory_space<hbm>>
    tpu.enqueue_indirect_dma source(%dma_start3A_37 : memref<1000000x128xf32, #tpu.memory_space<hbm>>) target(%arg17 : memref<128x128xf32, #tpu.memory_space<vmem>>) offsets(%dma_start3A_34 : memref<128xi32, #tpu.memory_space<vmem>>) semaphore(%arg23 : memref<!tpu.dma_semaphore, #tpu.memory_space<semaphore_mem>>)
    %dma_wait3A_38 = arith.constant 0 : i32
    %dma_wait3A_39 = tpu.memref_slice %arg10[%dma_wait3A_38] : memref<256xi32, #tpu.memory_space<vmem>> -> memref<128xi32, #tpu.memory_space<vmem>>
    %dma_wait3A_40 = arith.constant 0 : i32
    %dma_wait3A_41 = arith.constant 0 : i32
    %dma_wait3A_42 = tpu.memref_slice %arg5[%dma_wait3A_40, %dma_wait3A_41] : memref<1000000x128xf32, #tpu.memory_space<hbm>> -> memref<1000000x128xf32, #tpu.memory_space<hbm>>
    tpu.wait_indirect_dma semaphore(%arg19 : memref<!tpu.dma_semaphore, #tpu.memory_space<semaphore_mem>>) src(%dma_wait3A_42 : memref<1000000x128xf32, #tpu.memory_space<hbm>>) dst(%arg13 : memref<128x128xf32, #tpu.memory_space<vmem>>)
    %add3A_43 = arith.constant 0 : i32
    %add3A_44 = arith.addi %mul3A_2, %add3A_43 : i32
    %dma_start3A_45 = arith.constant 0 : i32
    %dma_start3A_46 = tpu.memref_slice %arg7[%add3A_44, %dma_start3A_45] : memref<8192x128xf32, #tpu.memory_space<hbm>> -> memref<128x128xf32, #tpu.memory_space<hbm>>
    %dma_start3A_47 = arith.constant 0 : i32
    %dma_start3A_48 = tpu.memref_slice %arg7[%add3A_44, %dma_start3A_47] : memref<8192x128xf32, #tpu.memory_space<hbm>> -> memref<128x128xf32, #tpu.memory_space<hbm>>
    tpu.enqueue_dma source(%arg13 : memref<128x128xf32, #tpu.memory_space<vmem>>) target(%dma_start3A_48 : memref<128x128xf32, #tpu.memory_space<hbm>>) target_semaphore(%arg19 : memref<!tpu.dma_semaphore, #tpu.memory_space<semaphore_mem>>)
    %dma_start3A_49 = arith.constant 128 : i32
    %dma_start3A_50 = tpu.memref_slice %arg12[%dma_start3A_49] : memref<256xi32, #tpu.memory_space<vmem>> -> memref<128xi32, #tpu.memory_space<vmem>>
    %dma_start3A_51 = arith.constant 0 : i32
    %dma_start3A_52 = arith.constant 0 : i32
    %dma_start3A_53 = tpu.memref_slice %arg5[%dma_start3A_51, %dma_start3A_52] : memref<1000000x128xf32, #tpu.memory_space<hbm>> -> memref<1000000x128xf32, #tpu.memory_space<hbm>>
    tpu.enqueue_indirect_dma source(%dma_start3A_53 : memref<1000000x128xf32, #tpu.memory_space<hbm>>) target(%arg18 : memref<128x128xf32, #tpu.memory_space<vmem>>) offsets(%dma_start3A_50 : memref<128xi32, #tpu.memory_space<vmem>>) semaphore(%arg24 : memref<!tpu.dma_semaphore, #tpu.memory_space<semaphore_mem>>)
    %dma_wait3A_54 = arith.constant 128 : i32
    %dma_wait3A_55 = tpu.memref_slice %arg10[%dma_wait3A_54] : memref<256xi32, #tpu.memory_space<vmem>> -> memref<128xi32, #tpu.memory_space<vmem>>
    %dma_wait3A_56 = arith.constant 0 : i32
    %dma_wait3A_57 = arith.constant 0 : i32
    %dma_wait3A_58 = tpu.memref_slice %arg5[%dma_wait3A_56, %dma_wait3A_57] : memref<1000000x128xf32, #tpu.memory_space<hbm>> -> memref<1000000x128xf32, #tpu.memory_space<hbm>>
    tpu.wait_indirect_dma semaphore(%arg20 : memref<!tpu.dma_semaphore, #tpu.memory_space<semaphore_mem>>) src(%dma_wait3A_58 : memref<1000000x128xf32, #tpu.memory_space<hbm>>) dst(%arg14 : memref<128x128xf32, #tpu.memory_space<vmem>>)
    %add3A_59 = arith.constant 128 : i32
    %add3A_60 = arith.addi %mul3A_2, %add3A_59 : i32
    %dma_start3A_61 = arith.constant 0 : i32
    %dma_start3A_62 = tpu.memref_slice %arg7[%add3A_60, %dma_start3A_61] : memref<8192x128xf32, #tpu.memory_space<hbm>> -> memref<128x128xf32, #tpu.memory_space<hbm>>
    %dma_start3A_63 = arith.constant 0 : i32
    %dma_start3A_64 = tpu.memref_slice %arg7[%add3A_60, %dma_start3A_63] : memref<8192x128xf32, #tpu.memory_space<hbm>> -> memref<128x128xf32, #tpu.memory_space<hbm>>
    tpu.enqueue_dma source(%arg14 : memref<128x128xf32, #tpu.memory_space<vmem>>) target(%dma_start3A_64 : memref<128x128xf32, #tpu.memory_space<hbm>>) target_semaphore(%arg20 : memref<!tpu.dma_semaphore, #tpu.memory_space<semaphore_mem>>)
    %dma_wait3A_65 = arith.constant 0 : i32
    %dma_wait3A_66 = tpu.memref_slice %arg11[%dma_wait3A_65] : memref<256xi32, #tpu.memory_space<vmem>> -> memref<128xi32, #tpu.memory_space<vmem>>
    %dma_wait3A_67 = arith.constant 0 : i32
    %dma_wait3A_68 = arith.constant 0 : i32
    %dma_wait3A_69 = tpu.memref_slice %arg6[%dma_wait3A_67, %dma_wait3A_68] : memref<1000x128xf32, #tpu.memory_space<hbm>> -> memref<1000x128xf32, #tpu.memory_space<hbm>>
    tpu.wait_indirect_dma semaphore(%arg21 : memref<!tpu.dma_semaphore, #tpu.memory_space<semaphore_mem>>) src(%dma_wait3A_69 : memref<1000x128xf32, #tpu.memory_space<hbm>>) dst(%arg15 : memref<128x128xf32, #tpu.memory_space<vmem>>)
    %add3A_70 = arith.constant 0 : i32
    %add3A_71 = arith.addi %mul3A_2, %add3A_70 : i32
    %dma_start3A_72 = arith.constant 0 : i32
    %dma_start3A_73 = tpu.memref_slice %arg8[%add3A_71, %dma_start3A_72] : memref<8192x128xf32, #tpu.memory_space<hbm>> -> memref<128x128xf32, #tpu.memory_space<hbm>>
    %dma_start3A_74 = arith.constant 0 : i32
    %dma_start3A_75 = tpu.memref_slice %arg8[%add3A_71, %dma_start3A_74] : memref<8192x128xf32, #tpu.memory_space<hbm>> -> memref<128x128xf32, #tpu.memory_space<hbm>>
    tpu.enqueue_dma source(%arg15 : memref<128x128xf32, #tpu.memory_space<vmem>>) target(%dma_start3A_75 : memref<128x128xf32, #tpu.memory_space<hbm>>) target_semaphore(%arg21 : memref<!tpu.dma_semaphore, #tpu.memory_space<semaphore_mem>>)
    %dma_wait3A_76 = arith.constant 128 : i32
    %dma_wait3A_77 = tpu.memref_slice %arg11[%dma_wait3A_76] : memref<256xi32, #tpu.memory_space<vmem>> -> memref<128xi32, #tpu.memory_space<vmem>>
    %dma_wait3A_78 = arith.constant 0 : i32
    %dma_wait3A_79 = arith.constant 0 : i32
    %dma_wait3A_80 = tpu.memref_slice %arg6[%dma_wait3A_78, %dma_wait3A_79] : memref<1000x128xf32, #tpu.memory_space<hbm>> -> memref<1000x128xf32, #tpu.memory_space<hbm>>
    tpu.wait_indirect_dma semaphore(%arg22 : memref<!tpu.dma_semaphore, #tpu.memory_space<semaphore_mem>>) src(%dma_wait3A_80 : memref<1000x128xf32, #tpu.memory_space<hbm>>) dst(%arg16 : memref<128x128xf32, #tpu.memory_space<vmem>>)
    %add3A_81 = arith.constant 128 : i32
    %add3A_82 = arith.addi %mul3A_2, %add3A_81 : i32
    %dma_start3A_83 = arith.constant 0 : i32
    %dma_start3A_84 = tpu.memref_slice %arg8[%add3A_82, %dma_start3A_83] : memref<8192x128xf32, #tpu.memory_space<hbm>> -> memref<128x128xf32, #tpu.memory_space<hbm>>
    %dma_start3A_85 = arith.constant 0 : i32
    %dma_start3A_86 = tpu.memref_slice %arg8[%add3A_82, %dma_start3A_85] : memref<8192x128xf32, #tpu.memory_space<hbm>> -> memref<128x128xf32, #tpu.memory_space<hbm>>
    tpu.enqueue_dma source(%arg16 : memref<128x128xf32, #tpu.memory_space<vmem>>) target(%dma_start3A_86 : memref<128x128xf32, #tpu.memory_space<hbm>>) target_semaphore(%arg22 : memref<!tpu.dma_semaphore, #tpu.memory_space<semaphore_mem>>)
    %dma_wait3A_87 = arith.constant 0 : i32
    %dma_wait3A_88 = tpu.memref_slice %arg12[%dma_wait3A_87] : memref<256xi32, #tpu.memory_space<vmem>> -> memref<128xi32, #tpu.memory_space<vmem>>
    %dma_wait3A_89 = arith.constant 0 : i32
    %dma_wait3A_90 = arith.constant 0 : i32
    %dma_wait3A_91 = tpu.memref_slice %arg5[%dma_wait3A_89, %dma_wait3A_90] : memref<1000000x128xf32, #tpu.memory_space<hbm>> -> memref<1000000x128xf32, #tpu.memory_space<hbm>>
    tpu.wait_indirect_dma semaphore(%arg23 : memref<!tpu.dma_semaphore, #tpu.memory_space<semaphore_mem>>) src(%dma_wait3A_91 : memref<1000000x128xf32, #tpu.memory_space<hbm>>) dst(%arg17 : memref<128x128xf32, #tpu.memory_space<vmem>>)
    %add3A_92 = arith.constant 0 : i32
    %add3A_93 = arith.addi %mul3A_2, %add3A_92 : i32
    %dma_start3A_94 = arith.constant 0 : i32
    %dma_start3A_95 = tpu.memref_slice %arg9[%add3A_93, %dma_start3A_94] : memref<8192x128xf32, #tpu.memory_space<hbm>> -> memref<128x128xf32, #tpu.memory_space<hbm>>
    %dma_start3A_96 = arith.constant 0 : i32
    %dma_start3A_97 = tpu.memref_slice %arg9[%add3A_93, %dma_start3A_96] : memref<8192x128xf32, #tpu.memory_space<hbm>> -> memref<128x128xf32, #tpu.memory_space<hbm>>
    tpu.enqueue_dma source(%arg17 : memref<128x128xf32, #tpu.memory_space<vmem>>) target(%dma_start3A_97 : memref<128x128xf32, #tpu.memory_space<hbm>>) target_semaphore(%arg23 : memref<!tpu.dma_semaphore, #tpu.memory_space<semaphore_mem>>)
    %dma_wait3A_98 = arith.constant 128 : i32
    %dma_wait3A_99 = tpu.memref_slice %arg12[%dma_wait3A_98] : memref<256xi32, #tpu.memory_space<vmem>> -> memref<128xi32, #tpu.memory_space<vmem>>
    %dma_wait3A_100 = arith.constant 0 : i32
    %dma_wait3A_101 = arith.constant 0 : i32
    %dma_wait3A_102 = tpu.memref_slice %arg5[%dma_wait3A_100, %dma_wait3A_101] : memref<1000000x128xf32, #tpu.memory_space<hbm>> -> memref<1000000x128xf32, #tpu.memory_space<hbm>>
    tpu.wait_indirect_dma semaphore(%arg24 : memref<!tpu.dma_semaphore, #tpu.memory_space<semaphore_mem>>) src(%dma_wait3A_102 : memref<1000000x128xf32, #tpu.memory_space<hbm>>) dst(%arg18 : memref<128x128xf32, #tpu.memory_space<vmem>>)
    %add3A_103 = arith.constant 128 : i32
    %add3A_104 = arith.addi %mul3A_2, %add3A_103 : i32
    %dma_start3A_105 = arith.constant 0 : i32
    %dma_start3A_106 = tpu.memref_slice %arg9[%add3A_104, %dma_start3A_105] : memref<8192x128xf32, #tpu.memory_space<hbm>> -> memref<128x128xf32, #tpu.memory_space<hbm>>
    %dma_start3A_107 = arith.constant 0 : i32
    %dma_start3A_108 = tpu.memref_slice %arg9[%add3A_104, %dma_start3A_107] : memref<8192x128xf32, #tpu.memory_space<hbm>> -> memref<128x128xf32, #tpu.memory_space<hbm>>
    tpu.enqueue_dma source(%arg18 : memref<128x128xf32, #tpu.memory_space<vmem>>) target(%dma_start3A_108 : memref<128x128xf32, #tpu.memory_space<hbm>>) target_semaphore(%arg24 : memref<!tpu.dma_semaphore, #tpu.memory_space<semaphore_mem>>)
    %dma_wait3A_109 = arith.constant 0 : i32
    %dma_wait3A_110 = tpu.memref_slice %arg7[%add3A_44, %dma_wait3A_109] : memref<8192x128xf32, #tpu.memory_space<hbm>> -> memref<128x128xf32, #tpu.memory_space<hbm>>
    %dma_wait3A_111 = arith.constant 0 : i32
    %dma_wait3A_112 = tpu.memref_slice %arg7[%add3A_44, %dma_wait3A_111] : memref<8192x128xf32, #tpu.memory_space<hbm>> -> memref<128x128xf32, #tpu.memory_space<hbm>>
    tpu.wait_dma2 semaphore(%arg19 : memref<!tpu.dma_semaphore, #tpu.memory_space<semaphore_mem>>) src(%arg13 : memref<128x128xf32, #tpu.memory_space<vmem>>) dst(%dma_wait3A_112 : memref<128x128xf32, #tpu.memory_space<hbm>>)
    %dma_wait3A_113 = arith.constant 0 : i32
    %dma_wait3A_114 = tpu.memref_slice %arg7[%add3A_60, %dma_wait3A_113] : memref<8192x128xf32, #tpu.memory_space<hbm>> -> memref<128x128xf32, #tpu.memory_space<hbm>>
    %dma_wait3A_115 = arith.constant 0 : i32
    %dma_wait3A_116 = tpu.memref_slice %arg7[%add3A_60, %dma_wait3A_115] : memref<8192x128xf32, #tpu.memory_space<hbm>> -> memref<128x128xf32, #tpu.memory_space<hbm>>
    tpu.wait_dma2 semaphore(%arg20 : memref<!tpu.dma_semaphore, #tpu.memory_space<semaphore_mem>>) src(%arg14 : memref<128x128xf32, #tpu.memory_space<vmem>>) dst(%dma_wait3A_116 : memref<128x128xf32, #tpu.memory_space<hbm>>)
    %dma_wait3A_117 = arith.constant 0 : i32
    %dma_wait3A_118 = tpu.memref_slice %arg8[%add3A_71, %dma_wait3A_117] : memref<8192x128xf32, #tpu.memory_space<hbm>> -> memref<128x128xf32, #tpu.memory_space<hbm>>
    %dma_wait3A_119 = arith.constant 0 : i32
    %dma_wait3A_120 = tpu.memref_slice %arg8[%add3A_71, %dma_wait3A_119] : memref<8192x128xf32, #tpu.memory_space<hbm>> -> memref<128x128xf32, #tpu.memory_space<hbm>>
    tpu.wait_dma2 semaphore(%arg21 : memref<!tpu.dma_semaphore, #tpu.memory_space<semaphore_mem>>) src(%arg15 : memref<128x128xf32, #tpu.memory_space<vmem>>) dst(%dma_wait3A_120 : memref<128x128xf32, #tpu.memory_space<hbm>>)
    %dma_wait3A_121 = arith.constant 0 : i32
    %dma_wait3A_122 = tpu.memref_slice %arg8[%add3A_82, %dma_wait3A_121] : memref<8192x128xf32, #tpu.memory_space<hbm>> -> memref<128x128xf32, #tpu.memory_space<hbm>>
    %dma_wait3A_123 = arith.constant 0 : i32
    %dma_wait3A_124 = tpu.memref_slice %arg8[%add3A_82, %dma_wait3A_123] : memref<8192x128xf32, #tpu.memory_space<hbm>> -> memref<128x128xf32, #tpu.memory_space<hbm>>
    tpu.wait_dma2 semaphore(%arg22 : memref<!tpu.dma_semaphore, #tpu.memory_space<semaphore_mem>>) src(%arg16 : memref<128x128xf32, #tpu.memory_space<vmem>>) dst(%dma_wait3A_124 : memref<128x128xf32, #tpu.memory_space<hbm>>)
    %dma_wait3A_125 = arith.constant 0 : i32
    %dma_wait3A_126 = tpu.memref_slice %arg9[%add3A_93, %dma_wait3A_125] : memref<8192x128xf32, #tpu.memory_space<hbm>> -> memref<128x128xf32, #tpu.memory_space<hbm>>
    %dma_wait3A_127 = arith.constant 0 : i32
    %dma_wait3A_128 = tpu.memref_slice %arg9[%add3A_93, %dma_wait3A_127] : memref<8192x128xf32, #tpu.memory_space<hbm>> -> memref<128x128xf32, #tpu.memory_space<hbm>>
    tpu.wait_dma2 semaphore(%arg23 : memref<!tpu.dma_semaphore, #tpu.memory_space<semaphore_mem>>) src(%arg17 : memref<128x128xf32, #tpu.memory_space<vmem>>) dst(%dma_wait3A_128 : memref<128x128xf32, #tpu.memory_space<hbm>>)
    %dma_wait3A_129 = arith.constant 0 : i32
    %dma_wait3A_130 = tpu.memref_slice %arg9[%add3A_104, %dma_wait3A_129] : memref<8192x128xf32, #tpu.memory_space<hbm>> -> memref<128x128xf32, #tpu.memory_space<hbm>>
    %dma_wait3A_131 = arith.constant 0 : i32
    %dma_wait3A_132 = tpu.memref_slice %arg9[%add3A_104, %dma_wait3A_131] : memref<8192x128xf32, #tpu.memory_space<hbm>> -> memref<128x128xf32, #tpu.memory_space<hbm>>
    tpu.wait_dma2 semaphore(%arg24 : memref<!tpu.dma_semaphore, #tpu.memory_space<semaphore_mem>>) src(%arg18 : memref<128x128xf32, #tpu.memory_space<vmem>>) dst(%dma_wait3A_132 : memref<128x128xf32, #tpu.memory_space<hbm>>)
    return
  }
}

#map = affine_map<(d0, d1) -> (0)>
#map1 = affine_map<(d0, d1) -> (0, 0)>
module attributes {stable_mosaic.version = 14 : i64} {
  func.func @gather_kernel(%arg0: i32, %arg1: i32, %arg2: memref<8192xi32, #tpu.memory_space<hbm>>, %arg3: memref<8192xi32, #tpu.memory_space<hbm>>, %arg4: memref<8192xi32, #tpu.memory_space<hbm>>, %arg5: memref<1000000x128xf32, #tpu.memory_space<hbm>>, %arg6: memref<1000x128xf32, #tpu.memory_space<hbm>>, %arg7: memref<8192x128xf32, #tpu.memory_space<hbm>>, %arg8: memref<8192x128xf32, #tpu.memory_space<hbm>>, %arg9: memref<8192x128xf32, #tpu.memory_space<hbm>>, %arg10: memref<256xi32, #tpu.memory_space<vmem>>, %arg11: memref<256xi32, #tpu.memory_space<vmem>>, %arg12: memref<256xi32, #tpu.memory_space<vmem>>, %arg13: memref<128x128xf32, #tpu.memory_space<vmem>>, %arg14: memref<128x128xf32, #tpu.memory_space<vmem>>, %arg15: memref<128x128xf32, #tpu.memory_space<vmem>>, %arg16: memref<128x128xf32, #tpu.memory_space<vmem>>, %arg17: memref<128x128xf32, #tpu.memory_space<vmem>>, %arg18: memref<128x128xf32, #tpu.memory_space<vmem>>, %arg19: memref<!tpu.dma_semaphore, #tpu.memory_space<semaphore_mem>>, %arg20: memref<!tpu.dma_semaphore, #tpu.memory_space<semaphore_mem>>, %arg21: memref<!tpu.dma_semaphore, #tpu.memory_space<semaphore_mem>>, %arg22: memref<!tpu.dma_semaphore, #tpu.memory_space<semaphore_mem>>, %arg23: memref<!tpu.dma_semaphore, #tpu.memory_space<semaphore_mem>>, %arg24: memref<!tpu.dma_semaphore, #tpu.memory_space<semaphore_mem>>, %arg25: memref<!tpu.dma_semaphore, #tpu.memory_space<semaphore_mem>>, %arg26: memref<!tpu.dma_semaphore, #tpu.memory_space<semaphore_mem>>, %arg27: memref<!tpu.dma_semaphore, #tpu.memory_space<semaphore_mem>>) attributes {dimension_semantics = [#tpu.dimension_semantics<core_parallel>, #tpu.dimension_semantics<subcore_parallel>], iteration_bounds = array<i64: 2, 16>, scalar_prefetch = 0 : i64, scratch_operands = 18 : i64, tpu.core_type = #tpu.core_type<sc_vector_subcore>, window_params = [{transform_indices = #map}, {transform_indices = #map}, {transform_indices = #map}, {transform_indices = #map1}, {transform_indices = #map1}, {transform_indices = #map1}, {transform_indices = #map1}, {transform_indices = #map1}]} {
    %mul3A = arith.constant 2 : i32
    %mul3A_0 = arith.muli %arg1, %mul3A : i32
    %add3A = arith.addi %mul3A_0, %arg0 : i32
    %mul3A_1 = arith.constant 256 : i32
    %mul3A_2 = arith.muli %add3A, %mul3A_1 : i32
    %dma_start3A = tpu.memref_slice %arg2[%mul3A_2] : memref<8192xi32, #tpu.memory_space<hbm>> -> memref<256xi32, #tpu.memory_space<hbm>>
    %dma_start3A_3 = tpu.memref_slice %arg2[%mul3A_2] : memref<8192xi32, #tpu.memory_space<hbm>> -> memref<256xi32, #tpu.memory_space<hbm>>
    tpu.enqueue_dma source(%dma_start3A_3 : memref<256xi32, #tpu.memory_space<hbm>>) target(%arg10 : memref<256xi32, #tpu.memory_space<vmem>>) target_semaphore(%arg25 : memref<!tpu.dma_semaphore, #tpu.memory_space<semaphore_mem>>)
    %dma_start3A_4 = tpu.memref_slice %arg3[%mul3A_2] : memref<8192xi32, #tpu.memory_space<hbm>> -> memref<256xi32, #tpu.memory_space<hbm>>
    %dma_start3A_5 = tpu.memref_slice %arg3[%mul3A_2] : memref<8192xi32, #tpu.memory_space<hbm>> -> memref<256xi32, #tpu.memory_space<hbm>>
    tpu.enqueue_dma source(%dma_start3A_5 : memref<256xi32, #tpu.memory_space<hbm>>) target(%arg11 : memref<256xi32, #tpu.memory_space<vmem>>) target_semaphore(%arg26 : memref<!tpu.dma_semaphore, #tpu.memory_space<semaphore_mem>>)
    %dma_start3A_6 = tpu.memref_slice %arg4[%mul3A_2] : memref<8192xi32, #tpu.memory_space<hbm>> -> memref<256xi32, #tpu.memory_space<hbm>>
    %dma_start3A_7 = tpu.memref_slice %arg4[%mul3A_2] : memref<8192xi32, #tpu.memory_space<hbm>> -> memref<256xi32, #tpu.memory_space<hbm>>
    tpu.enqueue_dma source(%dma_start3A_7 : memref<256xi32, #tpu.memory_space<hbm>>) target(%arg12 : memref<256xi32, #tpu.memory_space<vmem>>) target_semaphore(%arg27 : memref<!tpu.dma_semaphore, #tpu.memory_space<semaphore_mem>>)
    %dma_wait3A = tpu.memref_slice %arg2[%mul3A_2] : memref<8192xi32, #tpu.memory_space<hbm>> -> memref<256xi32, #tpu.memory_space<hbm>>
    %dma_wait3A_8 = tpu.memref_slice %arg2[%mul3A_2] : memref<8192xi32, #tpu.memory_space<hbm>> -> memref<256xi32, #tpu.memory_space<hbm>>
    tpu.wait_dma2 semaphore(%arg25 : memref<!tpu.dma_semaphore, #tpu.memory_space<semaphore_mem>>) src(%dma_wait3A_8 : memref<256xi32, #tpu.memory_space<hbm>>) dst(%arg10 : memref<256xi32, #tpu.memory_space<vmem>>)
    %dma_start3A_9 = arith.constant 0 : i32
    %dma_start3A_10 = tpu.memref_slice %arg10[%dma_start3A_9] : memref<256xi32, #tpu.memory_space<vmem>> -> memref<128xi32, #tpu.memory_space<vmem>>
    %dma_start3A_11 = arith.constant 0 : i32
    %dma_start3A_12 = arith.constant 0 : i32
    %dma_start3A_13 = tpu.memref_slice %arg5[%dma_start3A_11, %dma_start3A_12] : memref<1000000x128xf32, #tpu.memory_space<hbm>> -> memref<1000000x128xf32, #tpu.memory_space<hbm>>
    tpu.enqueue_indirect_dma source(%dma_start3A_13 : memref<1000000x128xf32, #tpu.memory_space<hbm>>) target(%arg13 : memref<128x128xf32, #tpu.memory_space<vmem>>) offsets(%dma_start3A_10 : memref<128xi32, #tpu.memory_space<vmem>>) semaphore(%arg19 : memref<!tpu.dma_semaphore, #tpu.memory_space<semaphore_mem>>)
    %dma_start3A_14 = arith.constant 128 : i32
    %dma_start3A_15 = tpu.memref_slice %arg10[%dma_start3A_14] : memref<256xi32, #tpu.memory_space<vmem>> -> memref<128xi32, #tpu.memory_space<vmem>>
    %dma_start3A_16 = arith.constant 0 : i32
    %dma_start3A_17 = arith.constant 0 : i32
    %dma_start3A_18 = tpu.memref_slice %arg5[%dma_start3A_16, %dma_start3A_17] : memref<1000000x128xf32, #tpu.memory_space<hbm>> -> memref<1000000x128xf32, #tpu.memory_space<hbm>>
    tpu.enqueue_indirect_dma source(%dma_start3A_18 : memref<1000000x128xf32, #tpu.memory_space<hbm>>) target(%arg14 : memref<128x128xf32, #tpu.memory_space<vmem>>) offsets(%dma_start3A_15 : memref<128xi32, #tpu.memory_space<vmem>>) semaphore(%arg20 : memref<!tpu.dma_semaphore, #tpu.memory_space<semaphore_mem>>)
    %dma_wait3A_19 = tpu.memref_slice %arg3[%mul3A_2] : memref<8192xi32, #tpu.memory_space<hbm>> -> memref<256xi32, #tpu.memory_space<hbm>>
    %dma_wait3A_20 = tpu.memref_slice %arg3[%mul3A_2] : memref<8192xi32, #tpu.memory_space<hbm>> -> memref<256xi32, #tpu.memory_space<hbm>>
    tpu.wait_dma2 semaphore(%arg26 : memref<!tpu.dma_semaphore, #tpu.memory_space<semaphore_mem>>) src(%dma_wait3A_20 : memref<256xi32, #tpu.memory_space<hbm>>) dst(%arg11 : memref<256xi32, #tpu.memory_space<vmem>>)
    %dma_start3A_21 = arith.constant 0 : i32
    %dma_start3A_22 = tpu.memref_slice %arg11[%dma_start3A_21] : memref<256xi32, #tpu.memory_space<vmem>> -> memref<128xi32, #tpu.memory_space<vmem>>
    %dma_start3A_23 = arith.constant 0 : i32
    %dma_start3A_24 = arith.constant 0 : i32
    %dma_start3A_25 = tpu.memref_slice %arg6[%dma_start3A_23, %dma_start3A_24] : memref<1000x128xf32, #tpu.memory_space<hbm>> -> memref<1000x128xf32, #tpu.memory_space<hbm>>
    tpu.enqueue_indirect_dma source(%dma_start3A_25 : memref<1000x128xf32, #tpu.memory_space<hbm>>) target(%arg15 : memref<128x128xf32, #tpu.memory_space<vmem>>) offsets(%dma_start3A_22 : memref<128xi32, #tpu.memory_space<vmem>>) semaphore(%arg21 : memref<!tpu.dma_semaphore, #tpu.memory_space<semaphore_mem>>)
    %dma_start3A_26 = arith.constant 128 : i32
    %dma_start3A_27 = tpu.memref_slice %arg11[%dma_start3A_26] : memref<256xi32, #tpu.memory_space<vmem>> -> memref<128xi32, #tpu.memory_space<vmem>>
    %dma_start3A_28 = arith.constant 0 : i32
    %dma_start3A_29 = arith.constant 0 : i32
    %dma_start3A_30 = tpu.memref_slice %arg6[%dma_start3A_28, %dma_start3A_29] : memref<1000x128xf32, #tpu.memory_space<hbm>> -> memref<1000x128xf32, #tpu.memory_space<hbm>>
    tpu.enqueue_indirect_dma source(%dma_start3A_30 : memref<1000x128xf32, #tpu.memory_space<hbm>>) target(%arg16 : memref<128x128xf32, #tpu.memory_space<vmem>>) offsets(%dma_start3A_27 : memref<128xi32, #tpu.memory_space<vmem>>) semaphore(%arg22 : memref<!tpu.dma_semaphore, #tpu.memory_space<semaphore_mem>>)
    %dma_wait3A_31 = tpu.memref_slice %arg4[%mul3A_2] : memref<8192xi32, #tpu.memory_space<hbm>> -> memref<256xi32, #tpu.memory_space<hbm>>
    %dma_wait3A_32 = tpu.memref_slice %arg4[%mul3A_2] : memref<8192xi32, #tpu.memory_space<hbm>> -> memref<256xi32, #tpu.memory_space<hbm>>
    tpu.wait_dma2 semaphore(%arg27 : memref<!tpu.dma_semaphore, #tpu.memory_space<semaphore_mem>>) src(%dma_wait3A_32 : memref<256xi32, #tpu.memory_space<hbm>>) dst(%arg12 : memref<256xi32, #tpu.memory_space<vmem>>)
    %dma_start3A_33 = arith.constant 0 : i32
    %dma_start3A_34 = tpu.memref_slice %arg12[%dma_start3A_33] : memref<256xi32, #tpu.memory_space<vmem>> -> memref<128xi32, #tpu.memory_space<vmem>>
    %dma_start3A_35 = arith.constant 0 : i32
    %dma_start3A_36 = arith.constant 0 : i32
    %dma_start3A_37 = tpu.memref_slice %arg5[%dma_start3A_35, %dma_start3A_36] : memref<1000000x128xf32, #tpu.memory_space<hbm>> -> memref<1000000x128xf32, #tpu.memory_space<hbm>>
    tpu.enqueue_indirect_dma source(%dma_start3A_37 : memref<1000000x128xf32, #tpu.memory_space<hbm>>) target(%arg17 : memref<128x128xf32, #tpu.memory_space<vmem>>) offsets(%dma_start3A_34 : memref<128xi32, #tpu.memory_space<vmem>>) semaphore(%arg23 : memref<!tpu.dma_semaphore, #tpu.memory_space<semaphore_mem>>)
    %dma_wait3A_38 = arith.constant 0 : i32
    %dma_wait3A_39 = tpu.memref_slice %arg10[%dma_wait3A_38] : memref<256xi32, #tpu.memory_space<vmem>> -> memref<128xi32, #tpu.memory_space<vmem>>
    %dma_wait3A_40 = arith.constant 0 : i32
    %dma_wait3A_41 = arith.constant 0 : i32
    %dma_wait3A_42 = tpu.memref_slice %arg5[%dma_wait3A_40, %dma_wait3A_41] : memref<1000000x128xf32, #tpu.memory_space<hbm>> -> memref<1000000x128xf32, #tpu.memory_space<hbm>>
    tpu.wait_indirect_dma semaphore(%arg19 : memref<!tpu.dma_semaphore, #tpu.memory_space<semaphore_mem>>) src(%dma_wait3A_42 : memref<1000000x128xf32, #tpu.memory_space<hbm>>) dst(%arg13 : memref<128x128xf32, #tpu.memory_space<vmem>>)
    %add3A_43 = arith.constant 0 : i32
    %add3A_44 = arith.addi %mul3A_2, %add3A_43 : i32
    %dma_start3A_45 = arith.constant 0 : i32
    %dma_start3A_46 = tpu.memref_slice %arg7[%add3A_44, %dma_start3A_45] : memref<8192x128xf32, #tpu.memory_space<hbm>> -> memref<128x128xf32, #tpu.memory_space<hbm>>
    %dma_start3A_47 = arith.constant 0 : i32
    %dma_start3A_48 = tpu.memref_slice %arg7[%add3A_44, %dma_start3A_47] : memref<8192x128xf32, #tpu.memory_space<hbm>> -> memref<128x128xf32, #tpu.memory_space<hbm>>
    tpu.enqueue_dma source(%arg13 : memref<128x128xf32, #tpu.memory_space<vmem>>) target(%dma_start3A_48 : memref<128x128xf32, #tpu.memory_space<hbm>>) target_semaphore(%arg19 : memref<!tpu.dma_semaphore, #tpu.memory_space<semaphore_mem>>)
    %dma_start3A_49 = arith.constant 128 : i32
    %dma_start3A_50 = tpu.memref_slice %arg12[%dma_start3A_49] : memref<256xi32, #tpu.memory_space<vmem>> -> memref<128xi32, #tpu.memory_space<vmem>>
    %dma_start3A_51 = arith.constant 0 : i32
    %dma_start3A_52 = arith.constant 0 : i32
    %dma_start3A_53 = tpu.memref_slice %arg5[%dma_start3A_51, %dma_start3A_52] : memref<1000000x128xf32, #tpu.memory_space<hbm>> -> memref<1000000x128xf32, #tpu.memory_space<hbm>>
    tpu.enqueue_indirect_dma source(%dma_start3A_53 : memref<1000000x128xf32, #tpu.memory_space<hbm>>) target(%arg18 : memref<128x128xf32, #tpu.memory_space<vmem>>) offsets(%dma_start3A_50 : memref<128xi32, #tpu.memory_space<vmem>>) semaphore(%arg24 : memref<!tpu.dma_semaphore, #tpu.memory_space<semaphore_mem>>)
    %dma_wait3A_54 = arith.constant 128 : i32
    %dma_wait3A_55 = tpu.memref_slice %arg10[%dma_wait3A_54] : memref<256xi32, #tpu.memory_space<vmem>> -> memref<128xi32, #tpu.memory_space<vmem>>
    %dma_wait3A_56 = arith.constant 0 : i32
    %dma_wait3A_57 = arith.constant 0 : i32
    %dma_wait3A_58 = tpu.memref_slice %arg5[%dma_wait3A_56, %dma_wait3A_57] : memref<1000000x128xf32, #tpu.memory_space<hbm>> -> memref<1000000x128xf32, #tpu.memory_space<hbm>>
    tpu.wait_indirect_dma semaphore(%arg20 : memref<!tpu.dma_semaphore, #tpu.memory_space<semaphore_mem>>) src(%dma_wait3A_58 : memref<1000000x128xf32, #tpu.memory_space<hbm>>) dst(%arg14 : memref<128x128xf32, #tpu.memory_space<vmem>>)
    %add3A_59 = arith.constant 128 : i32
    %add3A_60 = arith.addi %mul3A_2, %add3A_59 : i32
    %dma_start3A_61 = arith.constant 0 : i32
    %dma_start3A_62 = tpu.memref_slice %arg7[%add3A_60, %dma_start3A_61] : memref<8192x128xf32, #tpu.memory_space<hbm>> -> memref<128x128xf32, #tpu.memory_space<hbm>>
    %dma_start3A_63 = arith.constant 0 : i32
    %dma_start3A_64 = tpu.memref_slice %arg7[%add3A_60, %dma_start3A_63] : memref<8192x128xf32, #tpu.memory_space<hbm>> -> memref<128x128xf32, #tpu.memory_space<hbm>>
    tpu.enqueue_dma source(%arg14 : memref<128x128xf32, #tpu.memory_space<vmem>>) target(%dma_start3A_64 : memref<128x128xf32, #tpu.memory_space<hbm>>) target_semaphore(%arg20 : memref<!tpu.dma_semaphore, #tpu.memory_space<semaphore_mem>>)
    %dma_wait3A_65 = arith.constant 0 : i32
    %dma_wait3A_66 = tpu.memref_slice %arg11[%dma_wait3A_65] : memref<256xi32, #tpu.memory_space<vmem>> -> memref<128xi32, #tpu.memory_space<vmem>>
    %dma_wait3A_67 = arith.constant 0 : i32
    %dma_wait3A_68 = arith.constant 0 : i32
    %dma_wait3A_69 = tpu.memref_slice %arg6[%dma_wait3A_67, %dma_wait3A_68] : memref<1000x128xf32, #tpu.memory_space<hbm>> -> memref<1000x128xf32, #tpu.memory_space<hbm>>
    tpu.wait_indirect_dma semaphore(%arg21 : memref<!tpu.dma_semaphore, #tpu.memory_space<semaphore_mem>>) src(%dma_wait3A_69 : memref<1000x128xf32, #tpu.memory_space<hbm>>) dst(%arg15 : memref<128x128xf32, #tpu.memory_space<vmem>>)
    %add3A_70 = arith.constant 0 : i32
    %add3A_71 = arith.addi %mul3A_2, %add3A_70 : i32
    %dma_start3A_72 = arith.constant 0 : i32
    %dma_start3A_73 = tpu.memref_slice %arg8[%add3A_71, %dma_start3A_72] : memref<8192x128xf32, #tpu.memory_space<hbm>> -> memref<128x128xf32, #tpu.memory_space<hbm>>
    %dma_start3A_74 = arith.constant 0 : i32
    %dma_start3A_75 = tpu.memref_slice %arg8[%add3A_71, %dma_start3A_74] : memref<8192x128xf32, #tpu.memory_space<hbm>> -> memref<128x128xf32, #tpu.memory_space<hbm>>
    tpu.enqueue_dma source(%arg15 : memref<128x128xf32, #tpu.memory_space<vmem>>) target(%dma_start3A_75 : memref<128x128xf32, #tpu.memory_space<hbm>>) target_semaphore(%arg21 : memref<!tpu.dma_semaphore, #tpu.memory_space<semaphore_mem>>)
    %dma_wait3A_76 = arith.constant 128 : i32
    %dma_wait3A_77 = tpu.memref_slice %arg11[%dma_wait3A_76] : memref<256xi32, #tpu.memory_space<vmem>> -> memref<128xi32, #tpu.memory_space<vmem>>
    %dma_wait3A_78 = arith.constant 0 : i32
    %dma_wait3A_79 = arith.constant 0 : i32
    %dma_wait3A_80 = tpu.memref_slice %arg6[%dma_wait3A_78, %dma_wait3A_79] : memref<1000x128xf32, #tpu.memory_space<hbm>> -> memref<1000x128xf32, #tpu.memory_space<hbm>>
    tpu.wait_indirect_dma semaphore(%arg22 : memref<!tpu.dma_semaphore, #tpu.memory_space<semaphore_mem>>) src(%dma_wait3A_80 : memref<1000x128xf32, #tpu.memory_space<hbm>>) dst(%arg16 : memref<128x128xf32, #tpu.memory_space<vmem>>)
    %add3A_81 = arith.constant 128 : i32
    %add3A_82 = arith.addi %mul3A_2, %add3A_81 : i32
    %dma_start3A_83 = arith.constant 0 : i32
    %dma_start3A_84 = tpu.memref_slice %arg8[%add3A_82, %dma_start3A_83] : memref<8192x128xf32, #tpu.memory_space<hbm>> -> memref<128x128xf32, #tpu.memory_space<hbm>>
    %dma_start3A_85 = arith.constant 0 : i32
    %dma_start3A_86 = tpu.memref_slice %arg8[%add3A_82, %dma_start3A_85] : memref<8192x128xf32, #tpu.memory_space<hbm>> -> memref<128x128xf32, #tpu.memory_space<hbm>>
    tpu.enqueue_dma source(%arg16 : memref<128x128xf32, #tpu.memory_space<vmem>>) target(%dma_start3A_86 : memref<128x128xf32, #tpu.memory_space<hbm>>) target_semaphore(%arg22 : memref<!tpu.dma_semaphore, #tpu.memory_space<semaphore_mem>>)
    %dma_wait3A_87 = arith.constant 0 : i32
    %dma_wait3A_88 = tpu.memref_slice %arg12[%dma_wait3A_87] : memref<256xi32, #tpu.memory_space<vmem>> -> memref<128xi32, #tpu.memory_space<vmem>>
    %dma_wait3A_89 = arith.constant 0 : i32
    %dma_wait3A_90 = arith.constant 0 : i32
    %dma_wait3A_91 = tpu.memref_slice %arg5[%dma_wait3A_89, %dma_wait3A_90] : memref<1000000x128xf32, #tpu.memory_space<hbm>> -> memref<1000000x128xf32, #tpu.memory_space<hbm>>
    tpu.wait_indirect_dma semaphore(%arg23 : memref<!tpu.dma_semaphore, #tpu.memory_space<semaphore_mem>>) src(%dma_wait3A_91 : memref<1000000x128xf32, #tpu.memory_space<hbm>>) dst(%arg17 : memref<128x128xf32, #tpu.memory_space<vmem>>)
    %add3A_92 = arith.constant 0 : i32
    %add3A_93 = arith.addi %mul3A_2, %add3A_92 : i32
    %dma_start3A_94 = arith.constant 0 : i32
    %dma_start3A_95 = tpu.memref_slice %arg9[%add3A_93, %dma_start3A_94] : memref<8192x128xf32, #tpu.memory_space<hbm>> -> memref<128x128xf32, #tpu.memory_space<hbm>>
    %dma_start3A_96 = arith.constant 0 : i32
    %dma_start3A_97 = tpu.memref_slice %arg9[%add3A_93, %dma_start3A_96] : memref<8192x128xf32, #tpu.memory_space<hbm>> -> memref<128x128xf32, #tpu.memory_space<hbm>>
    tpu.enqueue_dma source(%arg17 : memref<128x128xf32, #tpu.memory_space<vmem>>) target(%dma_start3A_97 : memref<128x128xf32, #tpu.memory_space<hbm>>) target_semaphore(%arg23 : memref<!tpu.dma_semaphore, #tpu.memory_space<semaphore_mem>>)
    %dma_wait3A_98 = arith.constant 128 : i32
    %dma_wait3A_99 = tpu.memref_slice %arg12[%dma_wait3A_98] : memref<256xi32, #tpu.memory_space<vmem>> -> memref<128xi32, #tpu.memory_space<vmem>>
    %dma_wait3A_100 = arith.constant 0 : i32
    %dma_wait3A_101 = arith.constant 0 : i32
    %dma_wait3A_102 = tpu.memref_slice %arg5[%dma_wait3A_100, %dma_wait3A_101] : memref<1000000x128xf32, #tpu.memory_space<hbm>> -> memref<1000000x128xf32, #tpu.memory_space<hbm>>
    tpu.wait_indirect_dma semaphore(%arg24 : memref<!tpu.dma_semaphore, #tpu.memory_space<semaphore_mem>>) src(%dma_wait3A_102 : memref<1000000x128xf32, #tpu.memory_space<hbm>>) dst(%arg18 : memref<128x128xf32, #tpu.memory_space<vmem>>)
    %add3A_103 = arith.constant 128 : i32
    %add3A_104 = arith.addi %mul3A_2, %add3A_103 : i32
    %dma_start3A_105 = arith.constant 0 : i32
    %dma_start3A_106 = tpu.memref_slice %arg9[%add3A_104, %dma_start3A_105] : memref<8192x128xf32, #tpu.memory_space<hbm>> -> memref<128x128xf32, #tpu.memory_space<hbm>>
    %dma_start3A_107 = arith.constant 0 : i32
    %dma_start3A_108 = tpu.memref_slice %arg9[%add3A_104, %dma_start3A_107] : memref<8192x128xf32, #tpu.memory_space<hbm>> -> memref<128x128xf32, #tpu.memory_space<hbm>>
    tpu.enqueue_dma source(%arg18 : memref<128x128xf32, #tpu.memory_space<vmem>>) target(%dma_start3A_108 : memref<128x128xf32, #tpu.memory_space<hbm>>) target_semaphore(%arg24 : memref<!tpu.dma_semaphore, #tpu.memory_space<semaphore_mem>>)
    %dma_wait3A_109 = arith.constant 0 : i32
    %dma_wait3A_110 = tpu.memref_slice %arg7[%add3A_44, %dma_wait3A_109] : memref<8192x128xf32, #tpu.memory_space<hbm>> -> memref<128x128xf32, #tpu.memory_space<hbm>>
    %dma_wait3A_111 = arith.constant 0 : i32
    %dma_wait3A_112 = tpu.memref_slice %arg7[%add3A_44, %dma_wait3A_111] : memref<8192x128xf32, #tpu.memory_space<hbm>> -> memref<128x128xf32, #tpu.memory_space<hbm>>
    tpu.wait_dma2 semaphore(%arg19 : memref<!tpu.dma_semaphore, #tpu.memory_space<semaphore_mem>>) src(%arg13 : memref<128x128xf32, #tpu.memory_space<vmem>>) dst(%dma_wait3A_112 : memref<128x128xf32, #tpu.memory_space<hbm>>)
    %dma_wait3A_113 = arith.constant 0 : i32
    %dma_wait3A_114 = tpu.memref_slice %arg7[%add3A_60, %dma_wait3A_113] : memref<8192x128xf32, #tpu.memory_space<hbm>> -> memref<128x128xf32, #tpu.memory_space<hbm>>
    %dma_wait3A_115 = arith.constant 0 : i32
    %dma_wait3A_116 = tpu.memref_slice %arg7[%add3A_60, %dma_wait3A_115] : memref<8192x128xf32, #tpu.memory_space<hbm>> -> memref<128x128xf32, #tpu.memory_space<hbm>>
    tpu.wait_dma2 semaphore(%arg20 : memref<!tpu.dma_semaphore, #tpu.memory_space<semaphore_mem>>) src(%arg14 : memref<128x128xf32, #tpu.memory_space<vmem>>) dst(%dma_wait3A_116 : memref<128x128xf32, #tpu.memory_space<hbm>>)
    %dma_wait3A_117 = arith.constant 0 : i32
    %dma_wait3A_118 = tpu.memref_slice %arg8[%add3A_71, %dma_wait3A_117] : memref<8192x128xf32, #tpu.memory_space<hbm>> -> memref<128x128xf32, #tpu.memory_space<hbm>>
    %dma_wait3A_119 = arith.constant 0 : i32
    %dma_wait3A_120 = tpu.memref_slice %arg8[%add3A_71, %dma_wait3A_119] : memref<8192x128xf32, #tpu.memory_space<hbm>> -> memref<128x128xf32, #tpu.memory_space<hbm>>
    tpu.wait_dma2 semaphore(%arg21 : memref<!tpu.dma_semaphore, #tpu.memory_space<semaphore_mem>>) src(%arg15 : memref<128x128xf32, #tpu.memory_space<vmem>>) dst(%dma_wait3A_120 : memref<128x128xf32, #tpu.memory_space<hbm>>)
    %dma_wait3A_121 = arith.constant 0 : i32
    %dma_wait3A_122 = tpu.memref_slice %arg8[%add3A_82, %dma_wait3A_121] : memref<8192x128xf32, #tpu.memory_space<hbm>> -> memref<128x128xf32, #tpu.memory_space<hbm>>
    %dma_wait3A_123 = arith.constant 0 : i32
    %dma_wait3A_124 = tpu.memref_slice %arg8[%add3A_82, %dma_wait3A_123] : memref<8192x128xf32, #tpu.memory_space<hbm>> -> memref<128x128xf32, #tpu.memory_space<hbm>>
    tpu.wait_dma2 semaphore(%arg22 : memref<!tpu.dma_semaphore, #tpu.memory_space<semaphore_mem>>) src(%arg16 : memref<128x128xf32, #tpu.memory_space<vmem>>) dst(%dma_wait3A_124 : memref<128x128xf32, #tpu.memory_space<hbm>>)
    %dma_wait3A_125 = arith.constant 0 : i32
    %dma_wait3A_126 = tpu.memref_slice %arg9[%add3A_93, %dma_wait3A_125] : memref<8192x128xf32, #tpu.memory_space<hbm>> -> memref<128x128xf32, #tpu.memory_space<hbm>>
    %dma_wait3A_127 = arith.constant 0 : i32
    %dma_wait3A_128 = tpu.memref_slice %arg9[%add3A_93, %dma_wait3A_127] : memref<8192x128xf32, #tpu.memory_space<hbm>> -> memref<128x128xf32, #tpu.memory_space<hbm>>
    tpu.wait_dma2 semaphore(%arg23 : memref<!tpu.dma_semaphore, #tpu.memory_space<semaphore_mem>>) src(%arg17 : memref<128x128xf32, #tpu.memory_space<vmem>>) dst(%dma_wait3A_128 : memref<128x128xf32, #tpu.memory_space<hbm>>)
    %dma_wait3A_129 = arith.constant 0 : i32
    %dma_wait3A_130 = tpu.memref_slice %arg9[%add3A_104, %dma_wait3A_129] : memref<8192x128xf32, #tpu.memory_space<hbm>> -> memref<128x128xf32, #tpu.memory_space<hbm>>
    %dma_wait3A_131 = arith.constant 0 : i32
    %dma_wait3A_132 = tpu.memref_slice %arg9[%add3A_104, %dma_wait3A_131] : memref<8192x128xf32, #tpu.memory_space<hbm>> -> memref<128x128xf32, #tpu.memory_space<hbm>>
    tpu.wait_dma2 semaphore(%arg24 : memref<!tpu.dma_semaphore, #tpu.memory_space<semaphore_mem>>) src(%arg18 : memref<128x128xf32, #tpu.memory_space<vmem>>) dst(%dma_wait3A_132 : memref<128x128xf32, #tpu.memory_space<hbm>>)
    return
  }
}

module attributes {stable_mosaic.version = 14 : i64} {
  func.func @body(%arg0: i32, %arg1: memref<2048x128xf32, #tpu.memory_space<vmem>>, %arg2: memref<2048x128xf32, #tpu.memory_space<vmem>>, %arg3: memref<2048x128xf32, #tpu.memory_space<vmem>>, %arg4: memref<16384xf32, #tpu.memory_space<any>>, %arg5: memref<2048xf32, #tpu.memory_space<vmem>>) attributes {dimension_semantics = [#tpu.dimension_semantics<arbitrary>], iteration_bounds = array<i64: 4>, scalar_prefetch = 0 : i64, scratch_operands = 0 : i64, tpu.core_type = #tpu.core_type<tc>, window_params = [{transform_indices = @transform_0, window_bounds = array<i64: 2048, 128>}, {transform_indices = @transform_1, window_bounds = array<i64: 2048, 128>}, {transform_indices = @transform_2, window_bounds = array<i64: 2048, 128>}, {}, {transform_indices = @transform_4, window_bounds = array<i64: 2048>}]} {
    %get3A = arith.constant 0 : index
    %get3A_0 = arith.constant 0 : index
    %get3A_1 = vector.load %arg3[%get3A, %get3A_0] : memref<2048x128xf32, #tpu.memory_space<vmem>>, vector<2048x128xf32>
    %mul3A = arith.mulf %get3A_1, %get3A_1 : vector<2048x128xf32>
    %reduce_sum3A = arith.constant dense<0.000000e+00> : vector<2048xf32>
    %reduce_sum3A_2 = vector.multi_reduction <add>, %mul3A, %reduce_sum3A [1] : vector<2048x128xf32> to vector<2048xf32>
    %broadcast_in_dim3A = vector.shape_cast %reduce_sum3A_2 : vector<2048xf32> to vector<2048x1xf32>
    %max3A = arith.constant 1.000000e-24 : f32
    %max3A_3 = vector.broadcast %max3A : f32 to vector<2048x1xf32>
    %max3A_4 = arith.maximumf %broadcast_in_dim3A, %max3A_3 : vector<2048x1xf32>
    %rsqrt3A = math.rsqrt %max3A_4 : vector<2048x1xf32>
    %mul3A_5 = vector.broadcast %rsqrt3A : vector<2048x1xf32> to vector<2048x128xf32>
    %mul3A_6 = arith.mulf %get3A_1, %mul3A_5 : vector<2048x128xf32>
    %get3A_7 = arith.constant 0 : index
    %get3A_8 = arith.constant 0 : index
    %get3A_9 = vector.load %arg1[%get3A_7, %get3A_8] : memref<2048x128xf32, #tpu.memory_space<vmem>>, vector<2048x128xf32>
    %mul3A_10 = arith.mulf %get3A_9, %get3A_9 : vector<2048x128xf32>
    %reduce_sum3A_11 = arith.constant dense<0.000000e+00> : vector<2048xf32>
    %reduce_sum3A_12 = vector.multi_reduction <add>, %mul3A_10, %reduce_sum3A_11 [1] : vector<2048x128xf32> to vector<2048xf32>
    %broadcast_in_dim3A_13 = vector.shape_cast %reduce_sum3A_12 : vector<2048xf32> to vector<2048x1xf32>
    %max3A_14 = arith.constant 1.000000e-24 : f32
    %max3A_15 = vector.broadcast %max3A_14 : f32 to vector<2048x1xf32>
    %max3A_16 = arith.maximumf %broadcast_in_dim3A_13, %max3A_15 : vector<2048x1xf32>
    %rsqrt3A_17 = math.rsqrt %max3A_16 : vector<2048x1xf32>
    %mul3A_18 = vector.broadcast %rsqrt3A_17 : vector<2048x1xf32> to vector<2048x128xf32>
    %mul3A_19 = arith.mulf %get3A_9, %mul3A_18 : vector<2048x128xf32>
    %sub3A = arith.subf %mul3A_6, %mul3A_19 : vector<2048x128xf32>
    %get3A_20 = arith.constant 0 : index
    %get3A_21 = arith.constant 0 : index
    %get3A_22 = vector.load %arg2[%get3A_20, %get3A_21] : memref<2048x128xf32, #tpu.memory_space<vmem>>, vector<2048x128xf32>
    %mul3A_23 = arith.mulf %get3A_22, %get3A_22 : vector<2048x128xf32>
    %reduce_sum3A_24 = arith.constant dense<0.000000e+00> : vector<2048xf32>
    %reduce_sum3A_25 = vector.multi_reduction <add>, %mul3A_23, %reduce_sum3A_24 [1] : vector<2048x128xf32> to vector<2048xf32>
    %broadcast_in_dim3A_26 = vector.shape_cast %reduce_sum3A_25 : vector<2048xf32> to vector<2048x1xf32>
    %max3A_27 = arith.constant 1.000000e-24 : f32
    %max3A_28 = vector.broadcast %max3A_27 : f32 to vector<2048x1xf32>
    %max3A_29 = arith.maximumf %broadcast_in_dim3A_26, %max3A_28 : vector<2048x1xf32>
    %rsqrt3A_30 = math.rsqrt %max3A_29 : vector<2048x1xf32>
    %mul3A_31 = vector.broadcast %rsqrt3A_30 : vector<2048x1xf32> to vector<2048x128xf32>
    %mul3A_32 = arith.mulf %get3A_22, %mul3A_31 : vector<2048x128xf32>
    %sub3A_33 = arith.subf %sub3A, %mul3A_32 : vector<2048x128xf32>
    %add3A = arith.constant 9.99999997E-7 : f32
    %add3A_34 = vector.broadcast %add3A : f32 to vector<2048x128xf32>
    %add3A_35 = arith.addf %sub3A_33, %add3A_34 : vector<2048x128xf32>
    %mul3A_36 = arith.mulf %add3A_35, %add3A_35 : vector<2048x128xf32>
    %reduce_sum3A_37 = arith.constant dense<0.000000e+00> : vector<2048xf32>
    %reduce_sum3A_38 = vector.multi_reduction <add>, %mul3A_36, %reduce_sum3A_37 [1] : vector<2048x128xf32> to vector<2048xf32>
    %sqrt3A = math.sqrt %reduce_sum3A_38 : vector<2048xf32>
    %swap3A = arith.constant 0 : index
    %swap3A_39 = vector.load %arg5[%swap3A] : memref<2048xf32, #tpu.memory_space<vmem>>, vector<2048xf32>
    tpu.vector_store %arg5[%swap3A], %sqrt3A {strides = array<i32>} : memref<2048xf32, #tpu.memory_space<vmem>>, vector<2048xf32>,
    return
  }
  func.func @transform_0(%arg0: i32) -> (i32, i32) {
    %c0_i32 = arith.constant 0 : i32
    %c0_i32_0 = arith.constant 0 : i32
    return %arg0, %c0_i32 : i32, i32
  }
  func.func @transform_1(%arg0: i32) -> (i32, i32) {
    %c0_i32 = arith.constant 0 : i32
    %c0_i32_0 = arith.constant 0 : i32
    return %arg0, %c0_i32 : i32, i32
  }
  func.func @transform_2(%arg0: i32) -> (i32, i32) {
    %c0_i32 = arith.constant 0 : i32
    %c0_i32_0 = arith.constant 0 : i32
    return %arg0, %c0_i32 : i32, i32
  }
  func.func @transform_4(%arg0: i32) -> i32 {
    %add3A = arith.constant 4 : i32
    %add3A_0 = arith.addi %arg0, %add3A : i32
    %c0_i32 = arith.constant 0 : i32
    return %add3A_0 : i32
  }
}

module attributes {stable_mosaic.version = 14 : i64} {
  func.func @body(%arg0: i32, %arg1: memref<2048x128xf32, #tpu.memory_space<vmem>>, %arg2: memref<2048x128xf32, #tpu.memory_space<vmem>>, %arg3: memref<2048x128xf32, #tpu.memory_space<vmem>>, %arg4: memref<2048xf32, #tpu.memory_space<vmem>>) attributes {dimension_semantics = [#tpu.dimension_semantics<arbitrary>], iteration_bounds = array<i64: 4>, scalar_prefetch = 0 : i64, scratch_operands = 0 : i64, tpu.core_type = #tpu.core_type<tc>, window_params = [{transform_indices = @transform_0, window_bounds = array<i64: 2048, 128>}, {transform_indices = @transform_1, window_bounds = array<i64: 2048, 128>}, {transform_indices = @transform_2, window_bounds = array<i64: 2048, 128>}, {transform_indices = @transform_3, window_bounds = array<i64: 2048>}]} {
    %get3A = arith.constant 0 : index
    %get3A_0 = arith.constant 0 : index
    %get3A_1 = vector.load %arg3[%get3A, %get3A_0] : memref<2048x128xf32, #tpu.memory_space<vmem>>, vector<2048x128xf32>
    %mul3A = arith.mulf %get3A_1, %get3A_1 : vector<2048x128xf32>
    %reduce_sum3A = arith.constant dense<0.000000e+00> : vector<2048xf32>
    %reduce_sum3A_2 = vector.multi_reduction <add>, %mul3A, %reduce_sum3A [1] : vector<2048x128xf32> to vector<2048xf32>
    %broadcast_in_dim3A = vector.shape_cast %reduce_sum3A_2 : vector<2048xf32> to vector<2048x1xf32>
    %max3A = arith.constant 1.000000e-24 : f32
    %max3A_3 = vector.broadcast %max3A : f32 to vector<2048x1xf32>
    %max3A_4 = arith.maximumf %broadcast_in_dim3A, %max3A_3 : vector<2048x1xf32>
    %rsqrt3A = math.rsqrt %max3A_4 : vector<2048x1xf32>
    %mul3A_5 = vector.broadcast %rsqrt3A : vector<2048x1xf32> to vector<2048x128xf32>
    %mul3A_6 = arith.mulf %get3A_1, %mul3A_5 : vector<2048x128xf32>
    %get3A_7 = arith.constant 0 : index
    %get3A_8 = arith.constant 0 : index
    %get3A_9 = vector.load %arg1[%get3A_7, %get3A_8] : memref<2048x128xf32, #tpu.memory_space<vmem>>, vector<2048x128xf32>
    %mul3A_10 = arith.mulf %get3A_9, %get3A_9 : vector<2048x128xf32>
    %reduce_sum3A_11 = arith.constant dense<0.000000e+00> : vector<2048xf32>
    %reduce_sum3A_12 = vector.multi_reduction <add>, %mul3A_10, %reduce_sum3A_11 [1] : vector<2048x128xf32> to vector<2048xf32>
    %broadcast_in_dim3A_13 = vector.shape_cast %reduce_sum3A_12 : vector<2048xf32> to vector<2048x1xf32>
    %max3A_14 = arith.constant 1.000000e-24 : f32
    %max3A_15 = vector.broadcast %max3A_14 : f32 to vector<2048x1xf32>
    %max3A_16 = arith.maximumf %broadcast_in_dim3A_13, %max3A_15 : vector<2048x1xf32>
    %rsqrt3A_17 = math.rsqrt %max3A_16 : vector<2048x1xf32>
    %mul3A_18 = vector.broadcast %rsqrt3A_17 : vector<2048x1xf32> to vector<2048x128xf32>
    %mul3A_19 = arith.mulf %get3A_9, %mul3A_18 : vector<2048x128xf32>
    %sub3A = arith.subf %mul3A_6, %mul3A_19 : vector<2048x128xf32>
    %get3A_20 = arith.constant 0 : index
    %get3A_21 = arith.constant 0 : index
    %get3A_22 = vector.load %arg2[%get3A_20, %get3A_21] : memref<2048x128xf32, #tpu.memory_space<vmem>>, vector<2048x128xf32>
    %mul3A_23 = arith.mulf %get3A_22, %get3A_22 : vector<2048x128xf32>
    %reduce_sum3A_24 = arith.constant dense<0.000000e+00> : vector<2048xf32>
    %reduce_sum3A_25 = vector.multi_reduction <add>, %mul3A_23, %reduce_sum3A_24 [1] : vector<2048x128xf32> to vector<2048xf32>
    %broadcast_in_dim3A_26 = vector.shape_cast %reduce_sum3A_25 : vector<2048xf32> to vector<2048x1xf32>
    %max3A_27 = arith.constant 1.000000e-24 : f32
    %max3A_28 = vector.broadcast %max3A_27 : f32 to vector<2048x1xf32>
    %max3A_29 = arith.maximumf %broadcast_in_dim3A_26, %max3A_28 : vector<2048x1xf32>
    %rsqrt3A_30 = math.rsqrt %max3A_29 : vector<2048x1xf32>
    %mul3A_31 = vector.broadcast %rsqrt3A_30 : vector<2048x1xf32> to vector<2048x128xf32>
    %mul3A_32 = arith.mulf %get3A_22, %mul3A_31 : vector<2048x128xf32>
    %sub3A_33 = arith.subf %sub3A, %mul3A_32 : vector<2048x128xf32>
    %add3A = arith.constant 9.99999997E-7 : f32
    %add3A_34 = vector.broadcast %add3A : f32 to vector<2048x128xf32>
    %add3A_35 = arith.addf %sub3A_33, %add3A_34 : vector<2048x128xf32>
    %mul3A_36 = arith.mulf %add3A_35, %add3A_35 : vector<2048x128xf32>
    %reduce_sum3A_37 = arith.constant dense<0.000000e+00> : vector<2048xf32>
    %reduce_sum3A_38 = vector.multi_reduction <add>, %mul3A_36, %reduce_sum3A_37 [1] : vector<2048x128xf32> to vector<2048xf32>
    %sqrt3A = math.sqrt %reduce_sum3A_38 : vector<2048xf32>
    %swap3A = arith.constant 0 : index
    %swap3A_39 = vector.load %arg4[%swap3A] : memref<2048xf32, #tpu.memory_space<vmem>>, vector<2048xf32>
    tpu.vector_store %arg4[%swap3A], %sqrt3A {strides = array<i32>} : memref<2048xf32, #tpu.memory_space<vmem>>, vector<2048xf32>,
    return
  }
  func.func @transform_0(%arg0: i32) -> (i32, i32) {
    %c0_i32 = arith.constant 0 : i32
    %c0_i32_0 = arith.constant 0 : i32
    return %arg0, %c0_i32 : i32, i32
  }
  func.func @transform_1(%arg0: i32) -> (i32, i32) {
    %c0_i32 = arith.constant 0 : i32
    %c0_i32_0 = arith.constant 0 : i32
    return %arg0, %c0_i32 : i32, i32
  }
  func.func @transform_2(%arg0: i32) -> (i32, i32) {
    %c0_i32 = arith.constant 0 : i32
    %c0_i32_0 = arith.constant 0 : i32
    return %arg0, %c0_i32 : i32, i32
  }
  func.func @transform_3(%arg0: i32) -> i32 {
    %add3A = arith.constant 0 : i32
    %add3A_0 = arith.addi %arg0, %add3A : i32
    %c0_i32 = arith.constant 0 : i32
    return %add3A_0 : i32
  }
}

</mosaic_0001>

<sc_bundles>
// kernel: kernel.6.cloned.1.call-start
scs
__scs_entry_jumppad:
0x0: {  	(pc) =	sbr.rel $0x88, $3  }
0x1: {  	(tag) =	ssettag $0x0;
	lr =	simm.s32 $0x1  }
0x2: {  	[smem:$0x3F9C] =	sst lr;
	_ =	strace $0xD0000000  }
0x3: {  	_ = 	snop  }
0x4: {  	_ = 	snop  }
0x5: {  	_ = 	snop  }
0x6: {  	_ = 	snop  }
0x7: {  	_ = 	snop  }
__scs_overlays_trampoline_lowered:
0x8: {  	[smem:$0x3FAB] =	sst s0  }
0x9: {  	[smem:$0x3FAC] =	sst s1  }
0xa: {  	[smem:$0x3FAD] =	sst s2  }
0xb: {  	[smem:$0x3FAE] =	sst s3  }
0xc: {  	[smem:$0x3FAF] =	sst s4  }
0xd: {  	[smem:$0x3FB0] =	sst s5  }
0xe: {  	[smem:$0x3FB1] =	sst s6  }
0xf: {  	[smem:$0x3FB2] =	sst s7  }
0x10: {  	[smem:$0x3FB3] =	sst s8  }
0x11: {  	[smem:$0x3FB4] =	sst s9;
	s0 =	simm.s32 @!p0 $0x0  }
0x12: {  	s1 =	sld [smem:$0x3F9A];
	s0 =	simm.s32 @p0 $0x1  }
0x13: {  	[smem:$0x3FB5] =	sst s0;
	s0 =	simm.s32 @!p1 $0x0  }
0x14: {  	s2 =	sld [smem:$0x3F99];
	s0 =	simm.s32 @p1 $0x1  }
0x15: {  	[smem:$0x3FB6] =	sst s0;
	s0 =	simm.s32 @!p2 $0x0  }
0x16: {  	s3 =	sld [smem:$0x3FDB];
	s0 =	simm.s32 @p2 $0x1  }
0x17: {  	s4 =	simm.s32 $0x1BF5;
	[smem:$0x3FB8] =	sst s0  }
0x18: {  	s0 =	sld [smem:$0x3F9B];
	_ =	swait.ge [sflag:s4], $0x0  }
0x19: {  	s7 =	sld [smem:$0x3F9C]  }
0x1a: {  	s8 =	sadd.s32 $0xFFFFE003, lr  }
0x1b: {  	s9 =	sadd.s32 $0xFFFFFEF7, lr;
	s5 =	simm.s32 $0xFFFFFFFF;
	p2 =	slt.u32 s8, $0xFFFFF086  }
0x1c: {  	p1 =	slt.u32 s9, $0xF7A;
	s5 =	simm.s32 @!p2 $0x0  }
0x1d: {  	s5 =	simm.s32 @p1 $0x1;
	p0 =	seq.s32 s7, s2  }
0x1e: {  	s7 =	smul.u32 @!p0 $0xF7A, s2;
	p2 =	seq.s32 @!p0 s5, $0x0  }
0x1f: {  	s9 =	smul.u32 $0xF7A, s1;
	s8 =	simm.s32 @!p0 $0x1BF5;
	p2 =	por !p2, p0  }
0x20: {  	[sflag:s8] =	ssyncset.s32 @!p0 $0xFFFFF086;
	s6 =	sadd.s32 @!p0 s3, s7;
	s7 =	simm.s32 @!p0 $0x108  }
0x21: {  	s3 =	sadd.s32 s3, s9;
	s6 =	sadd.s32 @!p0 $0x88, s6;
	s7 =	simm.s32 @p2 $0x1082  }
0x22: {  	[simem:s7], [sflag:s8] =	dma.local @!p0 [hbm:s6], $0xF7A  }
0x23: {  	s9 =	sor.u32 $0xD0000000, s2;
	s6 =	simm.s32 $0x108;
	_ =	swait.ge @!p0 [sflag:s8], $0x0  }
0x24: {  	s3 =	sadd.s32 $0x88, s3;
	s6 =	simm.s32 @!p1 $0x1082;
	[sflag:s4] =	ssyncset.s32 $0xFFFFF086  }
0x25: {  	[simem:s6], [sflag:s4] =	dma.local [hbm:s3], $0xF7A  }
0x26: {  	[smem:$0x3F9C] =	sst s1;
	(tag) =	ssettag s2;
	_ =	strace s9  }
0x27: {  	s1 =	sld [smem:$0x3FAC]  }
0x28: {  	s2 =	sld [smem:$0x3FAD]  }
0x29: {  	s4 =	sld [smem:$0x3FAF]  }
0x2a: {  	p0 =	seq.s32 s5, $0x0;
	s5 =	sld [smem:$0x3FB0]  }
0x2b: {  	s6 =	sld [smem:$0x3FB1]  }
0x2c: {  	s7 =	sld [smem:$0x3FB2]  }
0x2d: {  	s3 =	simm.s32 $0x108;
	s8 =	sld [smem:$0x3FB3]  }
0x2e: {  	s3 =	simm.s32 @!p0 $0x1082;
	s9 =	sld [smem:$0x3FB4]  }
0x2f: {  	lr =	sadd.s32 s0, s3;
	s0 =	sld [smem:$0x3FAB]  }
0x30: {  	s3 =	sld [smem:$0x3FAE]  }
0x31: {  	[smem:$0x3FB7] =	sst s10  }
0x32: {  	s10 =	sld [smem:$0x3FB5];
	_ =	sdelay $0x3  }
0x33: {  	p0 =	seq.s32 s10, $0x1;
	s10 =	sld [smem:$0x3FB7];
	_ =	sdelay $0x3  }
0x34: {  	[smem:$0x3FB7] =	sst s10  }
0x35: {  	s10 =	sld [smem:$0x3FB6];
	_ =	sdelay $0x3  }
0x36: {  	p1 =	seq.s32 s10, $0x1;
	s10 =	sld [smem:$0x3FB7];
	_ =	sdelay $0x3  }
0x37: {  	[smem:$0x3FB7] =	sst s10  }
0x38: {  	s10 =	sld [smem:$0x3FB8]  }
0x39: {  	_ = 	snop;
	(pc) =	sbr.ind lr, $3  }
0x3a: {  	_ = 	snop  }
0x3b: {  	_ = 	snop  }
0x3c: {  	p2 =	seq.s32 s10, $0x1;
	s10 =	sld [smem:$0x3FB7]  }
0x3d: {  	_ =	shalt  }
0x3e: {  	_ =	shalt  }
0x3f: {  	_ =	shalt  }
0x40: {  	_ =	shalt  }
0x41: {  	_ =	shalt  }
0x42: {  	_ =	shalt  }
0x43: {  	_ =	shalt  }
0x44: {  	_ =	shalt  }
0x45: {  	_ =	shalt  }
0x46: {  	_ =	shalt  }
0x47: {  	_ =	shalt  }
0x48: {  	_ =	shalt  }
0x49: {  	_ =	shalt  }
0x4a: {  	_ =	shalt  }
0x4b: {  	_ =	shalt  }
0x4c: {  	_ =	shalt  }
0x4d: {  	_ =	shalt  }
0x4e: {  	_ =	shalt  }
0x4f: {  	_ =	shalt  }
0x50: {  	_ =	shalt  }
0x51: {  	_ =	shalt  }
0x52: {  	_ =	shalt  }
0x53: {  	_ =	shalt  }
0x54: {  	_ =	shalt  }
0x55: {  	_ =	shalt  }
0x56: {  	_ =	shalt  }
0x57: {  	_ =	shalt  }
0x58: {  	_ =	shalt  }
0x59: {  	_ =	shalt  }
0x5a: {  	_ =	shalt  }
0x5b: {  	_ =	shalt  }
0x5c: {  	_ =	shalt  }
0x5d: {  	_ =	shalt  }
0x5e: {  	_ =	shalt  }
0x5f: {  	_ =	shalt  }
0x60: {  	_ =	shalt  }
0x61: {  	_ =	shalt  }
0x62: {  	_ =	shalt  }
0x63: {  	_ =	shalt  }
0x64: {  	_ =	shalt  }
0x65: {  	_ =	shalt  }
0x66: {  	_ =	shalt  }
0x67: {  	_ =	shalt  }
0x68: {  	_ =	shalt  }
0x69: {  	_ =	shalt  }
0x6a: {  	_ =	shalt  }
0x6b: {  	_ =	shalt  }
0x6c: {  	_ =	shalt  }
0x6d: {  	_ =	shalt  }
0x6e: {  	_ =	shalt  }
0x6f: {  	_ =	shalt  }
0x70: {  	_ =	shalt  }
0x71: {  	_ =	shalt  }
0x72: {  	_ =	shalt  }
0x73: {  	_ =	shalt  }
0x74: {  	_ =	shalt  }
0x75: {  	_ =	shalt  }
0x76: {  	_ =	shalt  }
0x77: {  	_ =	shalt  }
0x78: {  	_ =	shalt  }
0x79: {  	_ =	shalt  }
0x7a: {  	_ =	shalt  }
0x7b: {  	_ =	shalt  }
0x7c: {  	_ =	shalt  }
0x7d: {  	_ =	shalt  }
0x7e: {  	_ =	shalt  }
0x7f: {  	_ =	shalt  }
0x80: {  	_ =	shalt  }
0x81: {  	_ =	shalt  }
0x82: {  	_ =	shalt  }
0x83: {  	_ =	shalt  }
0x84: {  	_ =	shalt  }
0x85: {  	_ =	shalt  }
0x86: {  	_ =	shalt  }
0x87: {  	_ =	shalt  }
.Lfunc_end0:
.L_simem_size_0:
called_computation_lowered:
.L_overlay_start_0:
0x88: {  	s2 =	sld [smem:$0x3FD9]  }
0x89: {  	s3 =	sld [smem:$0x3FFE];
	_ =	sdelay $0x1  }
0x8a: {  	s1 =	srdreg.scid  }
0x8b: {  	s0 =	sand.u32 $0x1, s1  }
0x8c: {  	s17 =	sshll.u32 s0, $0xA;
	s2 =	sadd.s32 s3, s2  }
0x8d: {  	s2 =	sadd.s32 s2, s17  }
0x8e: {  	[smem:$0x3FC3] =	sst s2  }
0x8f: {  	_ = 	snop  }
0x90: {  	s2 =	sld [smem:$0x3FC6]  }
0x91: {  	s18 =	sld [smem:$0x3FC5]  }
0x92: {  	s4 =	sld [smem:$0x3FD0];
	(tm) =	ssettm $0x1  }
0x93: {  	s5 =	sld [smem:$0x3FFB];
	_ =	sdelay $0x3  }
0x94: {  	_ =	strace s5  }
0x95: {  	s5 =	sld [smem:$0x3FFC];
	_ =	sdelay $0x3  }
0x96: {  	_ =	strace s5  }
0x97: {  	s5 =	sld [smem:$0x3FFD];
	_ =	sdelay $0x3  }
0x98: {  	_ =	strace s5  }
0x99: {  	_ =	strace $0x8FFFFFFF  }
0x9a: {  	s19 =	sld [smem:$0x3FDB];
	_ =	sdelay $0x1  }
0x9b: {  	s6 =	simm.s32 $_scs_section_size  }
0x9c: {  	s7 =	simm.s32 $_size__tile_overlayer_lowered;
	s8 =	simm.s32 $_tile_overlayer_lowered  }
0x9d: {  	s22 =	simm.s32 $0x1BFF;
	s21 =	sshll.u32 s8, $0x1;
	s5 =	sadd.s32 s6, s19  }
0x9e: {  	s9 =	simm.s32 $0x0;
	s20 =	sshll.u32 s7, $0x1;
	s7 =	sadd.s32 s21, s5  }
0x9f: {  	[timem:s9], [sflag:s22] =	dma.local [hbm:s7], s20  }
0xa0: {  	_ =	swait.ge [sflag:s22], s20  }
0xa1: {  	s6 =	ssub.s32 $0x0, s20;
	[sflag:s22] =	ssyncset.done $0x0  }
0xa2: {  	[sflag:s22] =	ssyncadd.s32 s6;
	_ =	sdelay $0x1  }
0xa3: {  	s23 =	simm.s32 $0x1B8B  }
0xa4: {  	_ =	swait.ge [sflag:s23], $0x1  }
0xa5: {  	[sflag:s23] =	ssyncset.done $0x0  }
0xa6: {  	s25 =	simm.s32 $0x1B8E;
	s24 =	sld [smem:$0x3FFE];
	[sflag:s23] =	ssyncadd.s32 $0xFFFFFFFF  }
0xa7: {  	s26 =	simm.s32 $execute0_lowered;
	[smem:$0x3FD2] =	sst s25  }
0xa8: {  	s7 =	sshll.u32 s26, $0x1;
	_ =	strace $0x80000046;
	[dreg:$0x1] =	wrdreg $0xFFFFFFFF  }
0xa9: {  	s28 =	simm.s32 $_size_execute0_lowered;
	s5 =	sadd.s32 s5, s7;
	[dreg:$0x0] =	wrdreg $0x0  }
0xaa: {  	s7 =	sshll.u32 s28, $0x1;
	[dreg:$0x2] =	wrdreg s5  }
0xab: {  	[dreg:$0x3] =	wrdreg s7  }
0xac: {  	[dreg:$0x4] =	wrdreg $0xC0  }
0xad: {  	_ =	task [dreg:s9], $0x5FFFF  }
0xae: {  	[dreg:$0x1] =	wrdreg $0xFFFFFFFF  }
0xaf: {  	[dreg:$0x0] =	wrdreg $0x60  }
0xb0: {  	[dreg:$0x2] =	wrdreg s4  }
0xb1: {  	[dreg:$0x3] =	wrdreg s24  }
0xb2: {  	[dreg:$0x4] =	wrdreg s2  }
0xb3: {  	[dreg:$0x5] =	wrdreg s18  }
0xb4: {  	[dreg:$0x6] =	wrdreg $0x9  }
0xb5: {  	_ =	task.clear_ibuf [dreg:s9], $0x7FFFF;
	_ =	strace $0x90000046  }
0xb6: {  	s29 =	simm.s32 $0x9;
	_ =	strace $0x80000048  }
0xb7: {  	_ =	swait.ge [sflag:s29], $0x1  }
0xb8: {  	[sflag:s29] =	ssyncadd.s32 $0xFFFFFFFF  }
0xb9: {  	_ =	strace $0x90000048  }
0xba: {  	_ =	sfence  }
0xbb: {  	s30 =	sld [smem:$0x0];
	_ =	sdelay $0x2  }
0xbc: {  	s31 =	sshll.u32 s1, $0xD;
	s1 =	sshrl.u32 s1, $0x2  }
0xbd: {  	s3 =	sand.u32 $0x4000, s31;
	s1 =	sadd.s32 s1, s30  }
0xbe: {  	s0 =	sor.u32 s3, s0;
	s1 =	sshll.u32 s1, $0x11  }
0xbf: {  	s0 =	sor.u32 s1, s0  }
0xc0: {  	s0 =	sadd.s32 $0x8F2B, s0  }
0xc1: {  	[sflag:s0] =	ssyncadd.remote.s32 $0x1  }
0xc2: {  	_ =	sfence.sel $0xFFFF  }
0xc3: {  	[dreg:$0x0] =	wrdreg $0xFFFFFFFF;
	(pc) =	sbr.abs _section_cstart, $3  }
0xc4: {  	[dreg:$0x1] =	wrdreg $0xFFFFFFFF  }
0xc5: {  	_ =	task.clear_ibuf [dreg:s9], $0x2FFFF;
	_ =	strace $0x9FFFFFFF  }
0xc6: {  	(tm) =	ssettm $0x7FFFFFFF  }
0xc7: {  	_ =	shalt  }
tec
execute0_lowered:
.L_overlay_start_1:
0x0: {  	(tag) =	ssettag $0x1  }
0x1: {  	s1 =	srdreg.scid  }
0x2: {  	s5 =	rddreg [dreg:$0x0];
	s0 =	stileid.u32;
	s1 =	sand.u32 $0x1, s1  }
0x3: {  	s29 =	rddreg [dreg:$0x1];
	s6 =	sshll.u32 s0, $0x9;
	s7 =	sshll.u32 s1, $0x8  }
0x4: {  	s2 =	rddreg [dreg:$0x2];
	s18 =	sor.u32 s7, s6  }
0x5: {  	s3 =	rddreg [dreg:$0x3];
	s4 =	simm.s32 $0x0;
	s6 =	sshrl.u32 s18, $0x3  }
0x6: {  	[smem:$0x7FF] =	sst s4;
	s21 =	sadd.s32 s6, s29;
	s5 =	sadd.s32 s5, s6  }
0x7: {  	_ =	strace $0x80000047;
	[dreg:$0x5] =	wrdreg s5;
	s22 =	sadd.s32 $0x2800, s21  }
0x8: {  	[dreg:$0x6] =	wrdreg s22  }
0x9: {  	s23 =	sadd.s32 $0x2400, s21;
	s24 =	rddreg [dreg:$0x5]  }
0xa: {  	[dreg:$0x7] =	wrdreg s23  }
0xb: {  	[tilespmem:s4], [sflag:$0x7] =	stream.linear.gather [hbm4b:s24+s4], $0x100, $0x38;
	[tilespmem:$0x18300] =	vst v63  }
0xc: {  	s5 =	simm.s32 $0x100;
	s25 =	rddreg [dreg:$0x6]  }
0xd: {  	[tilespmem:s5], [sflag:$0x8] =	stream.linear.gather [hbm4b:s25+s4], $0x100, $0x38;
	[tilespmem:$0x18300] =	vst v63  }
0xe: {  	s7 =	simm.s32 $0x7;
	s6 =	simm.s32 $0x200;
	s8 =	rddreg [dreg:$0x7]  }
0xf: {  	[tilespmem:s6], [sflag:$0x9] =	stream.linear.gather [hbm4b:s8+s4], $0x100, $0x38;
	[tilespmem:$0x18300] =	vst v63  }
0x10: {  	_ =	swait.ge [sflag:s7], $0x100  }
0x11: {  	[sflag:s7] =	ssyncset.done $0x0  }
0x12: {  	s9 =	simm.s32 $0x300;
	s8 =	simm.s32 $0x80;
	[sflag:s7] =	ssyncadd.s32 $0xFFFFFF00  }
0x13: {  	[tilespmem:s9], [sflag:$0x1] =	stream.indirect.gather [hbm4b:s2+s8], $0x80, s4, s8, $0xb8;
	[tilespmem:$0x18300] =	vst v63  }
0x14: {  	s10 =	simm.s32 $0x4300;
	s11 =	simm.s32 $0x8  }
0x15: {  	[tilespmem:s10], [sflag:$0x2] =	stream.indirect.gather [hbm4b:s2+s8], $0x80, s8, s8, $0xb8;
	[tilespmem:$0x18300] =	vst v63  }
0x16: {  	_ =	swait.ge [sflag:s11], $0x100  }
0x17: {  	[sflag:s11] =	ssyncset.done $0x0  }
0x18: {  	s12 =	simm.s32 $0x8300;
	[sflag:s11] =	ssyncadd.s32 $0xFFFFFF00  }
0x19: {  	[tilespmem:s12], [sflag:$0x3] =	stream.indirect.gather [hbm4b:s3+s8], $0x80, s5, s8, $0xb8;
	[tilespmem:$0x18300] =	vst v63  }
0x1a: {  	s26 =	simm.s32 $0x180;
	s14 =	simm.s32 $0xC300;
	s15 =	simm.s32 $0x9  }
0x1b: {  	[tilespmem:s14], [sflag:$0x4] =	stream.indirect.gather [hbm4b:s3+s8], $0x80, s26, s8, $0xb8;
	[tilespmem:$0x18300] =	vst v63  }
0x1c: {  	_ =	swait.ge [sflag:s15], $0x100  }
0x1d: {  	[sflag:s15] =	ssyncset.done $0x0  }
0x1e: {  	s16 =	simm.s32 $0x10300;
	s17 =	simm.s32 $0x1;
	[sflag:s15] =	ssyncadd.s32 $0xFFFFFF00  }
0x1f: {  	[tilespmem:s16], [sflag:$0x5] =	stream.indirect.gather [hbm4b:s2+s8], $0x80, s6, s8, $0xb8;
	[tilespmem:$0x18300] =	vst v63  }
0x20: {  	_ =	swait.ge [sflag:s17], $0x4000  }
0x21: {  	s30 =	sshll.u32 s18, $0x4;
	s22 =	sadd.s32 $0x3400, s29;
	[sflag:s17] =	ssyncset.done $0x0  }
0x22: {  	s18 =	sadd.s32 s22, s30;
	[sflag:s17] =	ssyncadd.s32 $0xFFFFC000  }
0x23: {  	[hbm4b:s18+s4] =	stream.linear.scatter [tilespmem:s9], [sflag:$0x1], $0x4000, $0x38;
	[tilespmem:$0x18300] =	vst v63  }
0x24: {  	s19 =	simm.s32 $0x280;
	s20 =	simm.s32 $0x14300;
	s21 =	simm.s32 $0x2  }
0x25: {  	[tilespmem:s20], [sflag:$0x6] =	stream.indirect.gather [hbm4b:s2+s8], $0x80, s19, s8, $0xb8;
	[tilespmem:$0x18300] =	vst v63  }
0x26: {  	_ =	swait.ge [sflag:s21], $0x4000  }
0x27: {  	s31 =	sor.u32 $0x800, s30;
	[sflag:s21] =	ssyncset.done $0x0  }
0x28: {  	s23 =	simm.s32 $0x3;
	s22 =	sadd.s32 s22, s31;
	[sflag:s21] =	ssyncadd.s32 $0xFFFFC000  }
0x29: {  	[hbm4b:s22+s4] =	stream.linear.scatter [tilespmem:s10], [sflag:$0x2], $0x4000, $0x38;
	[tilespmem:$0x18300] =	vst v63  }
0x2a: {  	_ =	swait.ge [sflag:s23], $0x4000  }
0x2b: {  	s26 =	sadd.s32 $0x23400, s29;
	[sflag:s23] =	ssyncset.done $0x0  }
0x2c: {  	s25 =	simm.s32 $0x4;
	s24 =	sadd.s32 s26, s30;
	[sflag:s23] =	ssyncadd.s32 $0xFFFFC000  }
0x2d: {  	[hbm4b:s24+s4] =	stream.linear.scatter [tilespmem:s12], [sflag:$0x3], $0x4000, $0x38;
	[tilespmem:$0x18300] =	vst v63  }
0x2e: {  	_ =	swait.ge [sflag:s25], $0x4000  }
0x2f: {  	[sflag:s25] =	ssyncset.done $0x0  }
0x30: {  	s28 =	simm.s32 $0x5;
	s26 =	sadd.s32 s26, s31;
	[sflag:s25] =	ssyncadd.s32 $0xFFFFC000  }
0x31: {  	[hbm4b:s26+s4] =	stream.linear.scatter [tilespmem:s14], [sflag:$0x4], $0x4000, $0x38;
	[tilespmem:$0x18300] =	vst v63  }
0x32: {  	_ =	swait.ge [sflag:s28], $0x4000  }
0x33: {  	s13 =	sadd.s32 $0x43400, s29;
	[sflag:s28] =	ssyncset.done $0x0  }
0x34: {  	s29 =	sadd.s32 s13, s30;
	s30 =	simm.s32 $0x6;
	[sflag:s28] =	ssyncadd.s32 $0xFFFFC000  }
0x35: {  	[hbm4b:s29+s4] =	stream.linear.scatter [tilespmem:s16], [sflag:$0x5], $0x4000, $0x38;
	[tilespmem:$0x18300] =	vst v63  }
0x36: {  	_ =	swait.ge [sflag:s30], $0x4000  }
0x37: {  	[sflag:s30] =	ssyncset.done $0x0  }
0x38: {  	s31 =	sadd.s32 s13, s31;
	[sflag:s30] =	ssyncadd.s32 $0xFFFFC000  }
0x39: {  	[hbm4b:s31+s4] =	stream.linear.scatter [tilespmem:s20], [sflag:$0x6], $0x4000, $0x38;
	[tilespmem:$0x18300] =	vst v63  }
0x3a: {  	_ =	swait.ge [sflag:s17], $0x4000  }
0x3b: {  	[sflag:s17] =	ssyncset.done $0x0  }
0x3c: {  	[sflag:s17] =	ssyncadd.s32 $0xFFFFC000  }
0x3d: {  	_ =	swait.ge [sflag:s21], $0x4000  }
0x3e: {  	[sflag:s21] =	ssyncset.done $0x0  }
0x3f: {  	[sflag:s21] =	ssyncadd.s32 $0xFFFFC000  }
0x40: {  	s13 =	ssub.s32 $0x2, s1;
	_ =	swait.ge [sflag:s23], $0x4000  }
0x41: {  	s1 =	sshrl.u32 s13, $0x1;
	[sflag:s23] =	ssyncset.done $0x0  }
0x42: {  	s0 =	ssub.s32 s13, s1;
	[sflag:s23] =	ssyncadd.s32 $0xFFFFC000  }
0x43: {  	s0 =	smax.u32 s0, $0x1;
	_ =	swait.ge [sflag:s25], $0x4000  }
0x44: {  	p0 =	sne.s32 s0, $0x1;
	[sflag:s25] =	ssyncset.done $0x0  }
.Ltmp0:
0x45: {  	[sflag:s25] =	ssyncadd.s32 $0xFFFFC000;
	(pc) =	sbr.rel @!p0 .LBB2_2-.Ltmp0, $4  }
0x46: {  	_ =	swait.ge [sflag:s28], $0x4000  }
0x47: {  	[sflag:s28] =	ssyncset.done $0x0  }
0x48: {  	[sflag:s28] =	ssyncadd.s32 $0xFFFFC000  }
0x49: {  	s1 =	sadd.s32 $0xFFFFFFFF, s0;
	_ =	swait.ge [sflag:s30], $0x4000  }
.LBB2_1:
0x4a: {  	[sflag:s30] =	ssyncset.done $0x0  }
0x4b: {  	s0 =	rddreg [dreg:$0x5];
	[sflag:s30] =	ssyncadd.s32 $0xFFFFC000  }
0x4c: {  	[tilespmem:s4], [sflag:$0x7] =	stream.linear.gather [hbm4b:s0+s4], $0x100, $0x38;
	[tilespmem:$0x18300] =	vst v63  }
0x4d: {  	s13 =	rddreg [dreg:$0x6]  }
0x4e: {  	[tilespmem:s5], [sflag:$0x8] =	stream.linear.gather [hbm4b:s13+s4], $0x100, $0x38;
	[tilespmem:$0x18300] =	vst v63  }
0x4f: {  	s0 =	rddreg [dreg:$0x7]  }
0x50: {  	[tilespmem:s6], [sflag:$0x9] =	stream.linear.gather [hbm4b:s0+s4], $0x100, $0x38;
	[tilespmem:$0x18300] =	vst v63  }
0x51: {  	_ =	swait.ge [sflag:s7], $0x100  }
0x52: {  	[sflag:s7] =	ssyncset.done $0x0  }
0x53: {  	[sflag:s7] =	ssyncadd.s32 $0xFFFFFF00  }
0x54: {  	[tilespmem:s9], [sflag:$0x1] =	stream.indirect.gather [hbm4b:s2+s8], $0x80, s4, s8, $0xb8;
	[tilespmem:$0x18300] =	vst v63  }
0x55: {  	_ = 	snop  }
0x56: {  	[tilespmem:s10], [sflag:$0x2] =	stream.indirect.gather [hbm4b:s2+s8], $0x80, s8, s8, $0xb8;
	[tilespmem:$0x18300] =	vst v63  }
0x57: {  	_ =	swait.ge [sflag:s11], $0x100  }
0x58: {  	[sflag:s11] =	ssyncset.done $0x0  }
0x59: {  	[sflag:s11] =	ssyncadd.s32 $0xFFFFFF00  }
0x5a: {  	[tilespmem:s12], [sflag:$0x3] =	stream.indirect.gather [hbm4b:s3+s8], $0x80, s5, s8, $0xb8;
	[tilespmem:$0x18300] =	vst v63  }
0x5b: {  	s13 =	simm.s32 $0x180  }
0x5c: {  	[tilespmem:s14], [sflag:$0x4] =	stream.indirect.gather [hbm4b:s3+s8], $0x80, s13, s8, $0xb8;
	[tilespmem:$0x18300] =	vst v63  }
0x5d: {  	_ =	swait.ge [sflag:s15], $0x100  }
0x5e: {  	[sflag:s15] =	ssyncset.done $0x0  }
0x5f: {  	[sflag:s15] =	ssyncadd.s32 $0xFFFFFF00  }
0x60: {  	[tilespmem:s16], [sflag:$0x5] =	stream.indirect.gather [hbm4b:s2+s8], $0x80, s6, s8, $0xb8;
	[tilespmem:$0x18300] =	vst v63  }
0x61: {  	_ =	swait.ge [sflag:s17], $0x4000  }
0x62: {  	[sflag:s17] =	ssyncset.done $0x0  }
0x63: {  	[sflag:s17] =	ssyncadd.s32 $0xFFFFC000  }
0x64: {  	[hbm4b:s18+s4] =	stream.linear.scatter [tilespmem:s9], [sflag:$0x1], $0x4000, $0x38;
	[tilespmem:$0x18300] =	vst v63  }
0x65: {  	_ = 	snop  }
0x66: {  	[tilespmem:s20], [sflag:$0x6] =	stream.indirect.gather [hbm4b:s2+s8], $0x80, s19, s8, $0xb8;
	[tilespmem:$0x18300] =	vst v63  }
0x67: {  	_ =	swait.ge [sflag:s21], $0x4000  }
0x68: {  	[sflag:s21] =	ssyncset.done $0x0  }
0x69: {  	[sflag:s21] =	ssyncadd.s32 $0xFFFFC000  }
0x6a: {  	[hbm4b:s22+s4] =	stream.linear.scatter [tilespmem:s10], [sflag:$0x2], $0x4000, $0x38;
	[tilespmem:$0x18300] =	vst v63  }
0x6b: {  	_ =	swait.ge [sflag:s23], $0x4000  }
0x6c: {  	[sflag:s23] =	ssyncset.done $0x0  }
0x6d: {  	[sflag:s23] =	ssyncadd.s32 $0xFFFFC000  }
0x6e: {  	[hbm4b:s24+s4] =	stream.linear.scatter [tilespmem:s12], [sflag:$0x3], $0x4000, $0x38;
	[tilespmem:$0x18300] =	vst v63  }
0x6f: {  	_ =	swait.ge [sflag:s25], $0x4000  }
0x70: {  	[sflag:s25] =	ssyncset.done $0x0  }
0x71: {  	[sflag:s25] =	ssyncadd.s32 $0xFFFFC000  }
0x72: {  	[hbm4b:s26+s4] =	stream.linear.scatter [tilespmem:s14], [sflag:$0x4], $0x4000, $0x38;
	[tilespmem:$0x18300] =	vst v63  }
0x73: {  	_ =	swait.ge [sflag:s28], $0x4000  }
0x74: {  	[sflag:s28] =	ssyncset.done $0x0  }
0x75: {  	[sflag:s28] =	ssyncadd.s32 $0xFFFFC000  }
0x76: {  	[hbm4b:s29+s4] =	stream.linear.scatter [tilespmem:s16], [sflag:$0x5], $0x4000, $0x38;
	[tilespmem:$0x18300] =	vst v63  }
0x77: {  	_ =	swait.ge [sflag:s30], $0x4000  }
0x78: {  	[sflag:s30] =	ssyncset.done $0x0  }
0x79: {  	[sflag:s30] =	ssyncadd.s32 $0xFFFFC000  }
0x7a: {  	[hbm4b:s31+s4] =	stream.linear.scatter [tilespmem:s20], [sflag:$0x6], $0x4000, $0x38;
	[tilespmem:$0x18300] =	vst v63  }
0x7b: {  	_ =	swait.ge [sflag:s17], $0x4000  }
0x7c: {  	[sflag:s17] =	ssyncset.done $0x0  }
0x7d: {  	[sflag:s17] =	ssyncadd.s32 $0xFFFFC000  }
0x7e: {  	_ =	swait.ge [sflag:s21], $0x4000  }
0x7f: {  	[sflag:s21] =	ssyncset.done $0x0  }
0x80: {  	[sflag:s21] =	ssyncadd.s32 $0xFFFFC000  }
0x81: {  	_ =	swait.ge [sflag:s23], $0x4000  }
0x82: {  	[sflag:s23] =	ssyncset.done $0x0  }
0x83: {  	[sflag:s23] =	ssyncadd.s32 $0xFFFFC000  }
0x84: {  	_ =	swait.ge [sflag:s25], $0x4000  }
0x85: {  	p0 =	sne.s32 s1, $0x1;
	[sflag:s25] =	ssyncset.done $0x0  }
.Ltmp1:
0x86: {  	[sflag:s25] =	ssyncadd.s32 $0xFFFFC000;
	(pc) =	sbr.rel @p0 .LBB2_1-.Ltmp1, $4  }
0x87: {  	_ =	swait.ge [sflag:s28], $0x4000  }
0x88: {  	[sflag:s28] =	ssyncset.done $0x0  }
0x89: {  	[sflag:s28] =	ssyncadd.s32 $0xFFFFC000  }
0x8a: {  	s1 =	sadd.s32 $0xFFFFFFFF, s1;
	_ =	swait.ge [sflag:s30], $0x4000  }
.LBB2_2:
0x8b: {  	[sflag:s30] =	ssyncset.done $0x0  }
0x8c: {  	[sflag:s30] =	ssyncadd.s32 $0xFFFFC000  }
0x8d: {  	_ =	sfence.sel $0x180000  }
0x8e: {  	[bflag:$0x0] =	sbarrier.arrive $0xFFFF  }
0x8f: {  	_ =	strace $0x90000047  }
0x90: {  	s0 =	stileid.u32;
	[bflag:$0x2] =	sbarrier.arrive $0xFFFF  }
0x91: {  	p0 =	sne.s32 s0, $0x0;
	s0 =	rddreg [dreg:$0x4]  }
0x92: {  	s0 =	sadd.s32 @!p0 $0x100000, s0  }
0x93: {  	[sflag:s0] =	ssyncadd.tile.s32 @!p0 $0x1;
	_ =	shalt  }
.Lfunc_end2:
_tile_overlayer_lowered:
.L_overlay_start_2:
0x94: {  	(tag) =	ssettag $0x2  }
0x95: {  	s0 =	rddreg [dreg:$0x0];
	s2 =	stileid.u32  }
0x96: {  	s1 =	rddreg [dreg:$0x1];
	p0 =	sne.s32 s2, $0x0  }
0x97: {  	s3 =	rddreg [dreg:$0x2];
	[bflag:$0x3] =	sbarrier.arrive $0xFFFF;
	s2 =	simm.s32 @!p0 $0x1C0A  }
0x98: {  	[timem:s3], [sflag:s2] =	dma.local @!p0 [hbm:s0], s1  }
0x99: {  	s0 =	simm.s32 @!p0 $0xA  }
0x9a: {  	_ =	swait.ge @!p0 [sflag:s0], s1  }
0x9b: {  	s1 =	ssub.s32 @!p0 $0x0, s1;
	[sflag:s0] =	ssyncset.done @!p0 $0x0  }
0x9c: {  	[sflag:s0] =	ssyncadd.s32 @!p0 s1  }
0x9d: {  	[bflag:$0x3] =	sbarrier.arrive $0xFFFF  }
0x9e: {  	_ =	shalt  }

// kernel: kernel.9.cloned.1.call-start
scs
__scs_entry_jumppad:
0x0: {  	(pc) =	sbr.rel $0x88, $3  }
0x1: {  	(tag) =	ssettag $0x0;
	lr =	simm.s32 $0x1  }
0x2: {  	[smem:$0x3F9C] =	sst lr;
	_ =	strace $0xD0000000  }
0x3: {  	_ = 	snop  }
0x4: {  	_ = 	snop  }
0x5: {  	_ = 	snop  }
0x6: {  	_ = 	snop  }
0x7: {  	_ = 	snop  }
__scs_overlays_trampoline_lowered:
0x8: {  	[smem:$0x3FAB] =	sst s0  }
0x9: {  	[smem:$0x3FAC] =	sst s1  }
0xa: {  	[smem:$0x3FAD] =	sst s2  }
0xb: {  	[smem:$0x3FAE] =	sst s3  }
0xc: {  	[smem:$0x3FAF] =	sst s4  }
0xd: {  	[smem:$0x3FB0] =	sst s5  }
0xe: {  	[smem:$0x3FB1] =	sst s6  }
0xf: {  	[smem:$0x3FB2] =	sst s7  }
0x10: {  	[smem:$0x3FB3] =	sst s8  }
0x11: {  	[smem:$0x3FB4] =	sst s9;
	s0 =	simm.s32 @!p0 $0x0  }
0x12: {  	s1 =	sld [smem:$0x3F9A];
	s0 =	simm.s32 @p0 $0x1  }
0x13: {  	[smem:$0x3FB5] =	sst s0;
	s0 =	simm.s32 @!p1 $0x0  }
0x14: {  	s2 =	sld [smem:$0x3F99];
	s0 =	simm.s32 @p1 $0x1  }
0x15: {  	[smem:$0x3FB6] =	sst s0;
	s0 =	simm.s32 @!p2 $0x0  }
0x16: {  	s3 =	sld [smem:$0x3FDB];
	s0 =	simm.s32 @p2 $0x1  }
0x17: {  	s4 =	simm.s32 $0x1BF5;
	[smem:$0x3FB8] =	sst s0  }
0x18: {  	s0 =	sld [smem:$0x3F9B];
	_ =	swait.ge [sflag:s4], $0x0  }
0x19: {  	s7 =	sld [smem:$0x3F9C]  }
0x1a: {  	s8 =	sadd.s32 $0xFFFFE003, lr  }
0x1b: {  	s9 =	sadd.s32 $0xFFFFFEF7, lr;
	s5 =	simm.s32 $0xFFFFFFFF;
	p2 =	slt.u32 s8, $0xFFFFF086  }
0x1c: {  	p1 =	slt.u32 s9, $0xF7A;
	s5 =	simm.s32 @!p2 $0x0  }
0x1d: {  	s5 =	simm.s32 @p1 $0x1;
	p0 =	seq.s32 s7, s2  }
0x1e: {  	s7 =	smul.u32 @!p0 $0xF7A, s2;
	p2 =	seq.s32 @!p0 s5, $0x0  }
0x1f: {  	s9 =	smul.u32 $0xF7A, s1;
	s8 =	simm.s32 @!p0 $0x1BF5;
	p2 =	por !p2, p0  }
0x20: {  	[sflag:s8] =	ssyncset.s32 @!p0 $0xFFFFF086;
	s6 =	sadd.s32 @!p0 s3, s7;
	s7 =	simm.s32 @!p0 $0x108  }
0x21: {  	s3 =	sadd.s32 s3, s9;
	s6 =	sadd.s32 @!p0 $0x88, s6;
	s7 =	simm.s32 @p2 $0x1082  }
0x22: {  	[simem:s7], [sflag:s8] =	dma.local @!p0 [hbm:s6], $0xF7A  }
0x23: {  	s9 =	sor.u32 $0xD0000000, s2;
	s6 =	simm.s32 $0x108;
	_ =	swait.ge @!p0 [sflag:s8], $0x0  }
0x24: {  	s3 =	sadd.s32 $0x88, s3;
	s6 =	simm.s32 @!p1 $0x1082;
	[sflag:s4] =	ssyncset.s32 $0xFFFFF086  }
0x25: {  	[simem:s6], [sflag:s4] =	dma.local [hbm:s3], $0xF7A  }
0x26: {  	[smem:$0x3F9C] =	sst s1;
	(tag) =	ssettag s2;
	_ =	strace s9  }
0x27: {  	s1 =	sld [smem:$0x3FAC]  }
0x28: {  	s2 =	sld [smem:$0x3FAD]  }
0x29: {  	s4 =	sld [smem:$0x3FAF]  }
0x2a: {  	p0 =	seq.s32 s5, $0x0;
	s5 =	sld [smem:$0x3FB0]  }
0x2b: {  	s6 =	sld [smem:$0x3FB1]  }
0x2c: {  	s7 =	sld [smem:$0x3FB2]  }
0x2d: {  	s3 =	simm.s32 $0x108;
	s8 =	sld [smem:$0x3FB3]  }
0x2e: {  	s3 =	simm.s32 @!p0 $0x1082;
	s9 =	sld [smem:$0x3FB4]  }
0x2f: {  	lr =	sadd.s32 s0, s3;
	s0 =	sld [smem:$0x3FAB]  }
0x30: {  	s3 =	sld [smem:$0x3FAE]  }
0x31: {  	[smem:$0x3FB7] =	sst s10  }
0x32: {  	s10 =	sld [smem:$0x3FB5];
	_ =	sdelay $0x3  }
0x33: {  	p0 =	seq.s32 s10, $0x1;
	s10 =	sld [smem:$0x3FB7];
	_ =	sdelay $0x3  }
0x34: {  	[smem:$0x3FB7] =	sst s10  }
0x35: {  	s10 =	sld [smem:$0x3FB6];
	_ =	sdelay $0x3  }
0x36: {  	p1 =	seq.s32 s10, $0x1;
	s10 =	sld [smem:$0x3FB7];
	_ =	sdelay $0x3  }
0x37: {  	[smem:$0x3FB7] =	sst s10  }
0x38: {  	s10 =	sld [smem:$0x3FB8]  }
0x39: {  	_ = 	snop;
	(pc) =	sbr.ind lr, $3  }
0x3a: {  	_ = 	snop  }
0x3b: {  	_ = 	snop  }
0x3c: {  	p2 =	seq.s32 s10, $0x1;
	s10 =	sld [smem:$0x3FB7]  }
0x3d: {  	_ =	shalt  }
0x3e: {  	_ =	shalt  }
0x3f: {  	_ =	shalt  }
0x40: {  	_ =	shalt  }
0x41: {  	_ =	shalt  }
0x42: {  	_ =	shalt  }
0x43: {  	_ =	shalt  }
0x44: {  	_ =	shalt  }
0x45: {  	_ =	shalt  }
0x46: {  	_ =	shalt  }
0x47: {  	_ =	shalt  }
0x48: {  	_ =	shalt  }
0x49: {  	_ =	shalt  }
0x4a: {  	_ =	shalt  }
0x4b: {  	_ =	shalt  }
0x4c: {  	_ =	shalt  }
0x4d: {  	_ =	shalt  }
0x4e: {  	_ =	shalt  }
0x4f: {  	_ =	shalt  }
0x50: {  	_ =	shalt  }
0x51: {  	_ =	shalt  }
0x52: {  	_ =	shalt  }
0x53: {  	_ =	shalt  }
0x54: {  	_ =	shalt  }
0x55: {  	_ =	shalt  }
0x56: {  	_ =	shalt  }
0x57: {  	_ =	shalt  }
0x58: {  	_ =	shalt  }
0x59: {  	_ =	shalt  }
0x5a: {  	_ =	shalt  }
0x5b: {  	_ =	shalt  }
0x5c: {  	_ =	shalt  }
0x5d: {  	_ =	shalt  }
0x5e: {  	_ =	shalt  }
0x5f: {  	_ =	shalt  }
0x60: {  	_ =	shalt  }
0x61: {  	_ =	shalt  }
0x62: {  	_ =	shalt  }
0x63: {  	_ =	shalt  }
0x64: {  	_ =	shalt  }
0x65: {  	_ =	shalt  }
0x66: {  	_ =	shalt  }
0x67: {  	_ =	shalt  }
0x68: {  	_ =	shalt  }
0x69: {  	_ =	shalt  }
0x6a: {  	_ =	shalt  }
0x6b: {  	_ =	shalt  }
0x6c: {  	_ =	shalt  }
0x6d: {  	_ =	shalt  }
0x6e: {  	_ =	shalt  }
0x6f: {  	_ =	shalt  }
0x70: {  	_ =	shalt  }
0x71: {  	_ =	shalt  }
0x72: {  	_ =	shalt  }
0x73: {  	_ =	shalt  }
0x74: {  	_ =	shalt  }
0x75: {  	_ =	shalt  }
0x76: {  	_ =	shalt  }
0x77: {  	_ =	shalt  }
0x78: {  	_ =	shalt  }
0x79: {  	_ =	shalt  }
0x7a: {  	_ =	shalt  }
0x7b: {  	_ =	shalt  }
0x7c: {  	_ =	shalt  }
0x7d: {  	_ =	shalt  }
0x7e: {  	_ =	shalt  }
0x7f: {  	_ =	shalt  }
0x80: {  	_ =	shalt  }
0x81: {  	_ =	shalt  }
0x82: {  	_ =	shalt  }
0x83: {  	_ =	shalt  }
0x84: {  	_ =	shalt  }
0x85: {  	_ =	shalt  }
0x86: {  	_ =	shalt  }
0x87: {  	_ =	shalt  }
.Lfunc_end0:
.L_simem_size_0:
called_computation.1_lowered:
.L_overlay_start_0:
0x88: {  	s2 =	sld [smem:$0x3FD9]  }
0x89: {  	s3 =	sld [smem:$0x3FFE];
	_ =	sdelay $0x1  }
0x8a: {  	s1 =	srdreg.scid  }
0x8b: {  	s0 =	sand.u32 $0x1, s1  }
0x8c: {  	s17 =	sshll.u32 s0, $0xA;
	s2 =	sadd.s32 s3, s2  }
0x8d: {  	s2 =	sadd.s32 s2, s17  }
0x8e: {  	[smem:$0x3FC3] =	sst s2  }
0x8f: {  	_ = 	snop  }
0x90: {  	s18 =	sld [smem:$0x3FC6]  }
0x91: {  	s4 =	sld [smem:$0x3FC5];
	(tm) =	ssettm $0x1  }
0x92: {  	s19 =	sld [smem:$0x3FFB];
	_ =	sdelay $0x3  }
0x93: {  	_ =	strace s19  }
0x94: {  	s2 =	sld [smem:$0x3FFC];
	_ =	sdelay $0x3  }
0x95: {  	_ =	strace s2  }
0x96: {  	s2 =	sld [smem:$0x3FFD];
	_ =	sdelay $0x3  }
0x97: {  	_ =	strace s2  }
0x98: {  	_ =	strace $0x8FFFFFFF  }
0x99: {  	s20 =	sld [smem:$0x3FDB];
	_ =	sdelay $0x1  }
0x9a: {  	s5 =	simm.s32 $_scs_section_size  }
0x9b: {  	s6 =	simm.s32 $_size__tile_overlayer_lowered;
	s7 =	simm.s32 $_tile_overlayer_lowered  }
0x9c: {  	s8 =	simm.s32 $0x1BFF;
	s21 =	sshll.u32 s7, $0x1;
	s5 =	sadd.s32 s5, s20  }
0x9d: {  	s22 =	simm.s32 $0x0;
	s6 =	sshll.u32 s6, $0x1;
	s7 =	sadd.s32 s21, s5  }
0x9e: {  	[timem:s22], [sflag:s8] =	dma.local [hbm:s7], s6  }
0x9f: {  	_ =	swait.ge [sflag:s8], s6  }
0xa0: {  	s6 =	ssub.s32 $0x0, s6;
	[sflag:s8] =	ssyncset.done $0x0  }
0xa1: {  	[sflag:s8] =	ssyncadd.s32 s6;
	_ =	sdelay $0x1  }
0xa2: {  	s23 =	simm.s32 $0x1B8B  }
0xa3: {  	_ =	swait.ge [sflag:s23], $0x1  }
0xa4: {  	[sflag:s23] =	ssyncset.done $0x0  }
0xa5: {  	[sflag:s23] =	ssyncadd.s32 $0xFFFFFFFF  }
0xa6: {  	s6 =	sld [smem:$0x0]  }
0xa7: {  	s7 =	sand.u32 $0xFFFFFFFE, s1  }
0xa8: {  	p0 =	sne.s32 s1, s7  }
0xa9: {  	s7 =	sshll.u32 @p0 s7, $0xE  }
0xaa: {  	s7 =	sadd.s32 @p0 $0x11B8D, s7;
	s8 =	sshll.u32 @p0 s6, $0x11  }
0xab: {  	s7 =	sor.u32 @p0 s8, s7  }
0xac: {  	[sflag:s7] =	ssyncadd.remote.s32 @p0 $0x1;
	_ =	sdelay $0x1  }
0xad: {  	s7 =	simm.s32 @p0 $0x1B8D  }
0xae: {  	_ =	swait.eq @p0 [sflag:s7], $0x1  }
0xaf: {  	[sflag:s7] =	ssyncadd.s32 @p0 $0xFFFFFFFF  }
0xb0: {  	s8 =	sshll.u32 @!p0 s1, $0xE  }
0xb1: {  	s8 =	sor.u32 @!p0 $0x4000, s8;
	s7 =	simm.s32 @!p0 $0x1B8D  }
0xb2: {  	s6 =	sshll.u32 @!p0 s6, $0x11;
	s8 =	sadd.s32 @!p0 $0x11B8D, s8;
	_ =	swait.eq @!p0 [sflag:s7], $0x1  }
0xb3: {  	s6 =	sor.u32 @!p0 s6, s8;
	[sflag:s7] =	ssyncadd.s32 @!p0 $0xFFFFFFFF  }
0xb4: {  	s25 =	simm.s32 $0x1B8E;
	s24 =	sld [smem:$0x3FFE];
	[sflag:s6] =	ssyncadd.remote.s32 @!p0 $0x1  }
0xb5: {  	s26 =	simm.s32 $execute0_lowered;
	[smem:$0x3FD2] =	sst s25  }
0xb6: {  	s7 =	sshll.u32 s26, $0x1;
	_ =	strace $0x80000049;
	[dreg:$0x1] =	wrdreg $0xFFFFFFFF  }
0xb7: {  	s28 =	simm.s32 $_size_execute0_lowered;
	s5 =	sadd.s32 s5, s7;
	[dreg:$0x0] =	wrdreg $0x0  }
0xb8: {  	s7 =	sshll.u32 s28, $0x1;
	[dreg:$0x2] =	wrdreg s5  }
0xb9: {  	[dreg:$0x3] =	wrdreg s7  }
0xba: {  	[dreg:$0x4] =	wrdreg $0xC0  }
0xbb: {  	_ =	task [dreg:s22], $0x5FFFF  }
0xbc: {  	[dreg:$0x1] =	wrdreg $0xFFFFFFFF  }
0xbd: {  	[dreg:$0x0] =	wrdreg $0x60  }
0xbe: {  	[dreg:$0x2] =	wrdreg s24  }
0xbf: {  	[dreg:$0x3] =	wrdreg s18  }
0xc0: {  	[dreg:$0x4] =	wrdreg s4  }
0xc1: {  	[dreg:$0x5] =	wrdreg $0xA  }
0xc2: {  	_ =	task.clear_ibuf [dreg:s22], $0x6FFFF;
	_ =	strace $0x90000049  }
0xc3: {  	s29 =	simm.s32 $0xA;
	_ =	strace $0x8000004B  }
0xc4: {  	_ =	swait.ge [sflag:s29], $0x1  }
0xc5: {  	[sflag:s29] =	ssyncadd.s32 $0xFFFFFFFF  }
0xc6: {  	_ =	strace $0x9000004B  }
0xc7: {  	_ =	sfence  }
0xc8: {  	s30 =	sld [smem:$0x0];
	_ =	sdelay $0x2  }
0xc9: {  	s31 =	sshll.u32 s1, $0xD;
	s1 =	sshrl.u32 s1, $0x2  }
0xca: {  	s4 =	sand.u32 $0x4000, s31;
	s1 =	sadd.s32 s1, s30  }
0xcb: {  	s0 =	sor.u32 s4, s0;
	s1 =	sshll.u32 s1, $0x11  }
0xcc: {  	s0 =	sor.u32 s1, s0  }
0xcd: {  	s0 =	sadd.s32 $0x8F2B, s0  }
0xce: {  	[sflag:s0] =	ssyncadd.remote.s32 $0x1  }
0xcf: {  	_ =	sfence.sel $0xFFFF  }
0xd0: {  	[dreg:$0x0] =	wrdreg $0xFFFFFFFF;
	(pc) =	sbr.abs _section_cstart, $3  }
0xd1: {  	[dreg:$0x1] =	wrdreg $0xFFFFFFFF  }
0xd2: {  	_ =	task.clear_ibuf [dreg:s22], $0x2FFFF;
	_ =	strace $0x9FFFFFFF  }
0xd3: {  	(tm) =	ssettm $0x7FFFFFFF  }
tec
execute0_lowered:
.L_overlay_start_1:
0x0: {  	(tag) =	ssettag $0x1  }
0x1: {  	s1 =	srdreg.scid  }
0x2: {  	s0 =	stileid.u32;
	s1 =	sand.u32 $0x1, s1  }
0x3: {  	s4 =	sshll.u32 s0, $0x9;
	s5 =	sshll.u32 s1, $0x8  }
0x4: {  	s29 =	rddreg [dreg:$0x0];
	s18 =	sor.u32 s5, s4  }
0x5: {  	s2 =	rddreg [dreg:$0x1];
	s5 =	sshrl.u32 s18, $0x3  }
0x6: {  	s3 =	rddreg [dreg:$0x2];
	s4 =	simm.s32 $0x0;
	s5 =	sadd.s32 s5, s29  }
0x7: {  	[smem:$0x7FF] =	sst s4;
	s6 =	sadd.s32 $0x2000, s5  }
0x8: {  	_ =	strace $0x8000004A;
	s24 =	sadd.s32 $0x3000, s5;
	[dreg:$0x4] =	wrdreg s6  }
0x9: {  	s5 =	sadd.s32 $0x2C00, s5;
	[dreg:$0x5] =	wrdreg s24  }
0xa: {  	[dreg:$0x6] =	wrdreg s5  }
0xb: {  	s25 =	rddreg [dreg:$0x4]  }
0xc: {  	[tilespmem:s4], [sflag:$0x7] =	stream.linear.gather [hbm4b:s25+s4], $0x100, $0x38;
	[tilespmem:$0x18300] =	vst v63  }
0xd: {  	s5 =	simm.s32 $0x100;
	s7 =	rddreg [dreg:$0x5]  }
0xe: {  	[tilespmem:s5], [sflag:$0x8] =	stream.linear.gather [hbm4b:s7+s4], $0x100, $0x38;
	[tilespmem:$0x18300] =	vst v63  }
0xf: {  	s6 =	simm.s32 $0x200;
	s8 =	rddreg [dreg:$0x6];
	s7 =	simm.s32 $0x7  }
0x10: {  	[tilespmem:s6], [sflag:$0x9] =	stream.linear.gather [hbm4b:s8+s4], $0x100, $0x38;
	[tilespmem:$0x18300] =	vst v63  }
0x11: {  	_ =	swait.ge [sflag:s7], $0x100  }
0x12: {  	[sflag:s7] =	ssyncset.done $0x0  }
0x13: {  	s9 =	simm.s32 $0x300;
	s8 =	simm.s32 $0x80;
	[sflag:s7] =	ssyncadd.s32 $0xFFFFFF00  }
0x14: {  	[tilespmem:s9], [sflag:$0x1] =	stream.indirect.gather [hbm4b:s2+s8], $0x80, s4, s8, $0xb8;
	[tilespmem:$0x18300] =	vst v63  }
0x15: {  	s10 =	simm.s32 $0x4300;
	s11 =	simm.s32 $0x8  }
0x16: {  	[tilespmem:s10], [sflag:$0x2] =	stream.indirect.gather [hbm4b:s2+s8], $0x80, s8, s8, $0xb8;
	[tilespmem:$0x18300] =	vst v63  }
0x17: {  	_ =	swait.ge [sflag:s11], $0x100  }
0x18: {  	[sflag:s11] =	ssyncset.done $0x0  }
0x19: {  	s12 =	simm.s32 $0x8300;
	[sflag:s11] =	ssyncadd.s32 $0xFFFFFF00  }
0x1a: {  	[tilespmem:s12], [sflag:$0x3] =	stream.indirect.gather [hbm4b:s3+s8], $0x80, s5, s8, $0xb8;
	[tilespmem:$0x18300] =	vst v63  }
0x1b: {  	s26 =	simm.s32 $0x180;
	s14 =	simm.s32 $0xC300;
	s15 =	simm.s32 $0x9  }
0x1c: {  	[tilespmem:s14], [sflag:$0x4] =	stream.indirect.gather [hbm4b:s3+s8], $0x80, s26, s8, $0xb8;
	[tilespmem:$0x18300] =	vst v63  }
0x1d: {  	_ =	swait.ge [sflag:s15], $0x100  }
0x1e: {  	[sflag:s15] =	ssyncset.done $0x0  }
0x1f: {  	s16 =	simm.s32 $0x10300;
	s17 =	simm.s32 $0x1;
	[sflag:s15] =	ssyncadd.s32 $0xFFFFFF00  }
0x20: {  	[tilespmem:s16], [sflag:$0x5] =	stream.indirect.gather [hbm4b:s2+s8], $0x80, s6, s8, $0xb8;
	[tilespmem:$0x18300] =	vst v63  }
0x21: {  	_ =	swait.ge [sflag:s17], $0x4000  }
0x22: {  	s22 =	sadd.s32 $0x63400, s29;
	s30 =	sshll.u32 s18, $0x4;
	[sflag:s17] =	ssyncset.done $0x0  }
0x23: {  	s18 =	sadd.s32 s22, s30;
	[sflag:s17] =	ssyncadd.s32 $0xFFFFC000  }
0x24: {  	[hbm4b:s18+s4] =	stream.linear.scatter [tilespmem:s9], [sflag:$0x1], $0x4000, $0x38;
	[tilespmem:$0x18300] =	vst v63  }
0x25: {  	s19 =	simm.s32 $0x280;
	s20 =	simm.s32 $0x14300;
	s21 =	simm.s32 $0x2  }
0x26: {  	[tilespmem:s20], [sflag:$0x6] =	stream.indirect.gather [hbm4b:s2+s8], $0x80, s19, s8, $0xb8;
	[tilespmem:$0x18300] =	vst v63  }
0x27: {  	_ =	swait.ge [sflag:s21], $0x4000  }
0x28: {  	s31 =	sor.u32 $0x800, s30;
	[sflag:s21] =	ssyncset.done $0x0  }
0x29: {  	s23 =	simm.s32 $0x3;
	s22 =	sadd.s32 s22, s31;
	[sflag:s21] =	ssyncadd.s32 $0xFFFFC000  }
0x2a: {  	[hbm4b:s22+s4] =	stream.linear.scatter [tilespmem:s10], [sflag:$0x2], $0x4000, $0x38;
	[tilespmem:$0x18300] =	vst v63  }
0x2b: {  	_ =	swait.ge [sflag:s23], $0x4000  }
0x2c: {  	s26 =	sadd.s32 $0x83400, s29;
	[sflag:s23] =	ssyncset.done $0x0  }
0x2d: {  	s25 =	simm.s32 $0x4;
	s24 =	sadd.s32 s26, s30;
	[sflag:s23] =	ssyncadd.s32 $0xFFFFC000  }
0x2e: {  	[hbm4b:s24+s4] =	stream.linear.scatter [tilespmem:s12], [sflag:$0x3], $0x4000, $0x38;
	[tilespmem:$0x18300] =	vst v63  }
0x2f: {  	_ =	swait.ge [sflag:s25], $0x4000  }
0x30: {  	[sflag:s25] =	ssyncset.done $0x0  }
0x31: {  	s28 =	simm.s32 $0x5;
	s26 =	sadd.s32 s26, s31;
	[sflag:s25] =	ssyncadd.s32 $0xFFFFC000  }
0x32: {  	[hbm4b:s26+s4] =	stream.linear.scatter [tilespmem:s14], [sflag:$0x4], $0x4000, $0x38;
	[tilespmem:$0x18300] =	vst v63  }
0x33: {  	_ =	swait.ge [sflag:s28], $0x4000  }
0x34: {  	s13 =	sadd.s32 $0xA3400, s29;
	[sflag:s28] =	ssyncset.done $0x0  }
0x35: {  	s29 =	sadd.s32 s13, s30;
	s30 =	simm.s32 $0x6;
	[sflag:s28] =	ssyncadd.s32 $0xFFFFC000  }
0x36: {  	[hbm4b:s29+s4] =	stream.linear.scatter [tilespmem:s16], [sflag:$0x5], $0x4000, $0x38;
	[tilespmem:$0x18300] =	vst v63  }
0x37: {  	_ =	swait.ge [sflag:s30], $0x4000  }
0x38: {  	[sflag:s30] =	ssyncset.done $0x0  }
0x39: {  	s31 =	sadd.s32 s13, s31;
	[sflag:s30] =	ssyncadd.s32 $0xFFFFC000  }
0x3a: {  	[hbm4b:s31+s4] =	stream.linear.scatter [tilespmem:s20], [sflag:$0x6], $0x4000, $0x38;
	[tilespmem:$0x18300] =	vst v63  }
0x3b: {  	_ =	swait.ge [sflag:s17], $0x4000  }
0x3c: {  	[sflag:s17] =	ssyncset.done $0x0  }
0x3d: {  	[sflag:s17] =	ssyncadd.s32 $0xFFFFC000  }
0x3e: {  	_ =	swait.ge [sflag:s21], $0x4000  }
0x3f: {  	[sflag:s21] =	ssyncset.done $0x0  }
0x40: {  	[sflag:s21] =	ssyncadd.s32 $0xFFFFC000  }
0x41: {  	s13 =	ssub.s32 $0x2, s1;
	_ =	swait.ge [sflag:s23], $0x4000  }
0x42: {  	s1 =	sshrl.u32 s13, $0x1;
	[sflag:s23] =	ssyncset.done $0x0  }
0x43: {  	s0 =	ssub.s32 s13, s1;
	[sflag:s23] =	ssyncadd.s32 $0xFFFFC000  }
0x44: {  	s0 =	smax.u32 s0, $0x1;
	_ =	swait.ge [sflag:s25], $0x4000  }
0x45: {  	p0 =	sne.s32 s0, $0x1;
	[sflag:s25] =	ssyncset.done $0x0  }
.Ltmp0:
0x46: {  	[sflag:s25] =	ssyncadd.s32 $0xFFFFC000;
	(pc) =	sbr.rel @!p0 .LBB2_2-.Ltmp0, $4  }
0x47: {  	_ =	swait.ge [sflag:s28], $0x4000  }
0x48: {  	[sflag:s28] =	ssyncset.done $0x0  }
0x49: {  	[sflag:s28] =	ssyncadd.s32 $0xFFFFC000  }
0x4a: {  	s1 =	sadd.s32 $0xFFFFFFFF, s0;
	_ =	swait.ge [sflag:s30], $0x4000  }
.LBB2_1:
0x4b: {  	[sflag:s30] =	ssyncset.done $0x0  }
0x4c: {  	s0 =	rddreg [dreg:$0x4];
	[sflag:s30] =	ssyncadd.s32 $0xFFFFC000  }
0x4d: {  	[tilespmem:s4], [sflag:$0x7] =	stream.linear.gather [hbm4b:s0+s4], $0x100, $0x38;
	[tilespmem:$0x18300] =	vst v63  }
0x4e: {  	s13 =	rddreg [dreg:$0x5]  }
0x4f: {  	[tilespmem:s5], [sflag:$0x8] =	stream.linear.gather [hbm4b:s13+s4], $0x100, $0x38;
	[tilespmem:$0x18300] =	vst v63  }
0x50: {  	s0 =	rddreg [dreg:$0x6]  }
0x51: {  	[tilespmem:s6], [sflag:$0x9] =	stream.linear.gather [hbm4b:s0+s4], $0x100, $0x38;
	[tilespmem:$0x18300] =	vst v63  }
0x52: {  	_ =	swait.ge [sflag:s7], $0x100  }
0x53: {  	[sflag:s7] =	ssyncset.done $0x0  }
0x54: {  	[sflag:s7] =	ssyncadd.s32 $0xFFFFFF00  }
0x55: {  	[tilespmem:s9], [sflag:$0x1] =	stream.indirect.gather [hbm4b:s2+s8], $0x80, s4, s8, $0xb8;
	[tilespmem:$0x18300] =	vst v63  }
0x56: {  	_ = 	snop  }
0x57: {  	[tilespmem:s10], [sflag:$0x2] =	stream.indirect.gather [hbm4b:s2+s8], $0x80, s8, s8, $0xb8;
	[tilespmem:$0x18300] =	vst v63  }
0x58: {  	_ =	swait.ge [sflag:s11], $0x100  }
0x59: {  	[sflag:s11] =	ssyncset.done $0x0  }
0x5a: {  	[sflag:s11] =	ssyncadd.s32 $0xFFFFFF00  }
0x5b: {  	[tilespmem:s12], [sflag:$0x3] =	stream.indirect.gather [hbm4b:s3+s8], $0x80, s5, s8, $0xb8;
	[tilespmem:$0x18300] =	vst v63  }
0x5c: {  	s13 =	simm.s32 $0x180  }
0x5d: {  	[tilespmem:s14], [sflag:$0x4] =	stream.indirect.gather [hbm4b:s3+s8], $0x80, s13, s8, $0xb8;
	[tilespmem:$0x18300] =	vst v63  }
0x5e: {  	_ =	swait.ge [sflag:s15], $0x100  }
0x5f: {  	[sflag:s15] =	ssyncset.done $0x0  }
0x60: {  	[sflag:s15] =	ssyncadd.s32 $0xFFFFFF00  }
0x61: {  	[tilespmem:s16], [sflag:$0x5] =	stream.indirect.gather [hbm4b:s2+s8], $0x80, s6, s8, $0xb8;
	[tilespmem:$0x18300] =	vst v63  }
0x62: {  	_ =	swait.ge [sflag:s17], $0x4000  }
0x63: {  	[sflag:s17] =	ssyncset.done $0x0  }
0x64: {  	[sflag:s17] =	ssyncadd.s32 $0xFFFFC000  }
0x65: {  	[hbm4b:s18+s4] =	stream.linear.scatter [tilespmem:s9], [sflag:$0x1], $0x4000, $0x38;
	[tilespmem:$0x18300] =	vst v63  }
0x66: {  	_ = 	snop  }
0x67: {  	[tilespmem:s20], [sflag:$0x6] =	stream.indirect.gather [hbm4b:s2+s8], $0x80, s19, s8, $0xb8;
	[tilespmem:$0x18300] =	vst v63  }
0x68: {  	_ =	swait.ge [sflag:s21], $0x4000  }
0x69: {  	[sflag:s21] =	ssyncset.done $0x0  }
0x6a: {  	[sflag:s21] =	ssyncadd.s32 $0xFFFFC000  }
0x6b: {  	[hbm4b:s22+s4] =	stream.linear.scatter [tilespmem:s10], [sflag:$0x2], $0x4000, $0x38;
	[tilespmem:$0x18300] =	vst v63  }
0x6c: {  	_ =	swait.ge [sflag:s23], $0x4000  }
0x6d: {  	[sflag:s23] =	ssyncset.done $0x0  }
0x6e: {  	[sflag:s23] =	ssyncadd.s32 $0xFFFFC000  }
0x6f: {  	[hbm4b:s24+s4] =	stream.linear.scatter [tilespmem:s12], [sflag:$0x3], $0x4000, $0x38;
	[tilespmem:$0x18300] =	vst v63  }
0x70: {  	_ =	swait.ge [sflag:s25], $0x4000  }
0x71: {  	[sflag:s25] =	ssyncset.done $0x0  }
0x72: {  	[sflag:s25] =	ssyncadd.s32 $0xFFFFC000  }
0x73: {  	[hbm4b:s26+s4] =	stream.linear.scatter [tilespmem:s14], [sflag:$0x4], $0x4000, $0x38;
	[tilespmem:$0x18300] =	vst v63  }
0x74: {  	_ =	swait.ge [sflag:s28], $0x4000  }
0x75: {  	[sflag:s28] =	ssyncset.done $0x0  }
0x76: {  	[sflag:s28] =	ssyncadd.s32 $0xFFFFC000  }
0x77: {  	[hbm4b:s29+s4] =	stream.linear.scatter [tilespmem:s16], [sflag:$0x5], $0x4000, $0x38;
	[tilespmem:$0x18300] =	vst v63  }
0x78: {  	_ =	swait.ge [sflag:s30], $0x4000  }
0x79: {  	[sflag:s30] =	ssyncset.done $0x0  }
0x7a: {  	[sflag:s30] =	ssyncadd.s32 $0xFFFFC000  }
0x7b: {  	[hbm4b:s31+s4] =	stream.linear.scatter [tilespmem:s20], [sflag:$0x6], $0x4000, $0x38;
	[tilespmem:$0x18300] =	vst v63  }
0x7c: {  	_ =	swait.ge [sflag:s17], $0x4000  }
0x7d: {  	[sflag:s17] =	ssyncset.done $0x0  }
0x7e: {  	[sflag:s17] =	ssyncadd.s32 $0xFFFFC000  }
0x7f: {  	_ =	swait.ge [sflag:s21], $0x4000  }
0x80: {  	[sflag:s21] =	ssyncset.done $0x0  }
0x81: {  	[sflag:s21] =	ssyncadd.s32 $0xFFFFC000  }
0x82: {  	_ =	swait.ge [sflag:s23], $0x4000  }
0x83: {  	[sflag:s23] =	ssyncset.done $0x0  }
0x84: {  	[sflag:s23] =	ssyncadd.s32 $0xFFFFC000  }
0x85: {  	_ =	swait.ge [sflag:s25], $0x4000  }
0x86: {  	p0 =	sne.s32 s1, $0x1;
	[sflag:s25] =	ssyncset.done $0x0  }
.Ltmp1:
0x87: {  	[sflag:s25] =	ssyncadd.s32 $0xFFFFC000;
	(pc) =	sbr.rel @p0 .LBB2_1-.Ltmp1, $4  }
0x88: {  	_ =	swait.ge [sflag:s28], $0x4000  }
0x89: {  	[sflag:s28] =	ssyncset.done $0x0  }
0x8a: {  	[sflag:s28] =	ssyncadd.s32 $0xFFFFC000  }
0x8b: {  	s1 =	sadd.s32 $0xFFFFFFFF, s1;
	_ =	swait.ge [sflag:s30], $0x4000  }
.LBB2_2:
0x8c: {  	[sflag:s30] =	ssyncset.done $0x0  }
0x8d: {  	[sflag:s30] =	ssyncadd.s32 $0xFFFFC000  }
0x8e: {  	_ =	sfence.sel $0x180000  }
0x8f: {  	[bflag:$0x0] =	sbarrier.arrive $0xFFFF  }
0x90: {  	_ =	strace $0x9000004A  }
0x91: {  	s0 =	stileid.u32;
	[bflag:$0x2] =	sbarrier.arrive $0xFFFF  }
0x92: {  	p0 =	sne.s32 s0, $0x0;
	s0 =	rddreg [dreg:$0x3]  }
0x93: {  	s0 =	sadd.s32 @!p0 $0x100000, s0  }
0x94: {  	[sflag:s0] =	ssyncadd.tile.s32 @!p0 $0x1;
	_ =	shalt  }
.Lfunc_end2:
_tile_overlayer_lowered:
.L_overlay_start_2:
0x95: {  	(tag) =	ssettag $0x2  }
0x96: {  	s0 =	rddreg [dreg:$0x0];
	s2 =	stileid.u32  }
0x97: {  	s1 =	rddreg [dreg:$0x1];
	p0 =	sne.s32 s2, $0x0  }
0x98: {  	s3 =	rddreg [dreg:$0x2];
	[bflag:$0x3] =	sbarrier.arrive $0xFFFF;
	s2 =	simm.s32 @!p0 $0x1C0A  }
0x99: {  	[timem:s3], [sflag:s2] =	dma.local @!p0 [hbm:s0], s1  }
0x9a: {  	s0 =	simm.s32 @!p0 $0xA  }
0x9b: {  	_ =	swait.ge @!p0 [sflag:s0], s1  }
0x9c: {  	s1 =	ssub.s32 @!p0 $0x0, s1;
	[sflag:s0] =	ssyncset.done @!p0 $0x0  }
0x9d: {  	[sflag:s0] =	ssyncadd.s32 @!p0 s1  }
0x9e: {  	[bflag:$0x3] =	sbarrier.arrive $0xFFFF  }
0x9f: {  	_ =	shalt  }

</sc_bundles>
